<compile_context>
chip_gen: v7x
topology: tpu7x:2x2x1
jax: 0.10.2.dev20260603
libtpu: 0.0.44.dev20260713+nightly
codegen_flags: <defaults>
</compile_context>

<pallas_src>
import functools

import jax
import jax.numpy as jnp
from jax import lax
from jax.experimental import pallas as pl
from jax.experimental.pallas import tpu as pltpu
from jax.experimental.pallas import tpu_sc as plsc

VOCAB = 8192
N_TOK = 8192
NW = 32
TOK_PER_W = N_TOK // NW
NB = 4
NCHUNK = TOK_PER_W // NB
L = 16


NRING = 2


def _sc_gather_kernel(idx2_hbm, tgt_hbm, table_hbm,
                      logits_hbm, s_hbm, t_hbm,
                      idx2_v, tgt_v, buf0, buf1,
                      s_stage, t_stage,
                      sem_g0, sem_g1, sem_o0, sem_o1):
    wid = lax.axis_index("s") * 2 + lax.axis_index("c")
    base = wid * TOK_PER_W
    bufs = (buf0, buf1)
    sem_g = (sem_g0, sem_g1)
    sem_o = (sem_o0, sem_o1)
    lane = lax.iota(jnp.int32, L)

    pltpu.sync_copy(idx2_hbm.at[pl.ds(wid * NCHUNK, NCHUNK), :], idx2_v)
    pltpu.sync_copy(tgt_hbm.at[pl.ds(wid * NCHUNK, NCHUNK), :], tgt_v)

    def start_gather(c, b):
        pltpu.async_copy(table_hbm.at[idx2_v.at[c]], bufs[b], sem_g[b])

    def do_chunk(c, b):
        buf = bufs[b]
        pltpu.make_async_copy(
            table_hbm.at[idx2_v.at[c]], buf, sem_g[b]
        ).wait()
        out_cp = pltpu.async_copy(
            buf, logits_hbm.at[pl.ds(base + c * NB, NB), :], sem_o[b])
        tq = tgt_v[c]
        for r in range(NB):
            t_r = tq[r]
            tv = buf[r, pl.ds(pl.multiple_of(t_r & ~(L - 1), L), L)]
            sel = jnp.where(lane == (t_r & (L - 1)), tv, 0.0)
            t_stage[pl.ds((c * NB + r) * L, L)] = sel
        def inner(j, accs):
            sl = pl.ds(j * L, L)
            return tuple(accs[r] + jnp.exp(buf[r, sl])
                         for r in range(NB))
        z = jnp.zeros((L,), jnp.float32)
        accs = lax.fori_loop(0, VOCAB // L, inner, (z,) * NB, unroll=2)
        for r in range(NB):
            s_stage[pl.ds((c * NB + r) * L, L)] = accs[r]
        out_cp.wait()

        @pl.when(c + NRING < NCHUNK)
        def _():
            start_gather(c + NRING, b)

    for b in range(NRING):
        start_gather(b, b)

    def ring_body(c3, carry):
        for b in range(NRING):
            do_chunk(c3 * NRING + b, b)
        return carry

    lax.fori_loop(0, NCHUNK // NRING, ring_body, 0)
    for c in range((NCHUNK // NRING) * NRING, NCHUNK):
        do_chunk(c, c % NRING)

    pltpu.sync_copy(t_stage, t_hbm.at[pl.ds(base * L, TOK_PER_W * L)])
    pltpu.sync_copy(s_stage, s_hbm.at[pl.ds(base * L, TOK_PER_W * L)])


def _sc_gather(idx_flat, tgt_flat, table):
    mesh = plsc.VectorSubcoreMesh(core_axis_name="c", subcore_axis_name="s")
    run = functools.partial(
        pl.kernel,
        mesh=mesh,
        out_type=[
            jax.ShapeDtypeStruct((N_TOK, VOCAB), jnp.float32),
            jax.ShapeDtypeStruct((N_TOK * L,), jnp.float32),
            jax.ShapeDtypeStruct((N_TOK * L,), jnp.float32),
        ],
        scratch_types=[
            pltpu.VMEM((NCHUNK, NB), jnp.int32),
            pltpu.VMEM((NCHUNK, L), jnp.int32),
            pltpu.VMEM((NB, VOCAB), jnp.float32),
            pltpu.VMEM((NB, VOCAB), jnp.float32),
            pltpu.VMEM((L * TOK_PER_W,), jnp.float32),
            pltpu.VMEM((L * TOK_PER_W,), jnp.float32),
            pltpu.SemaphoreType.DMA,
            pltpu.SemaphoreType.DMA,
            pltpu.SemaphoreType.DMA,
            pltpu.SemaphoreType.DMA,
        ],
    )(_sc_gather_kernel)
    tgt_pad = jnp.pad(tgt_flat.reshape(NW * NCHUNK, NB),
                      ((0, 0), (0, L - NB)))
    return run(idx_flat.reshape(NW * NCHUNK, NB), tgt_pad, table)


def _tc_loss_kernel(s_ref, t_ref, loss_ref):
    li = lax.broadcasted_iota(jnp.int32, (128, 8), 0)
    gi = lax.broadcasted_iota(jnp.int32, (128, 8), 1)
    sel = jnp.where(li // L == gi, 1.0, 0.0).astype(jnp.float32)
    s_tok = jnp.dot(s_ref[...], sel, precision=lax.Precision.HIGHEST,
                    preferred_element_type=jnp.float32)
    lse = jnp.log(s_tok)
    loss_ref[0, 0] = (jnp.sum(lse) - jnp.sum(t_ref[...])) / N_TOK


def _tc_loss(s_part, t_part):
    return pl.pallas_call(
        _tc_loss_kernel,
        out_shape=jax.ShapeDtypeStruct((1, 1), jnp.float32),
        out_specs=pl.BlockSpec(memory_space=pltpu.SMEM),
    )(s_part, t_part)


def kernel(input_tensor, targets, token_embedding_table):
    Bn, Tn = input_tensor.shape
    idx_flat = input_tensor.reshape(N_TOK)
    tgt_flat = targets.reshape(N_TOK)

    logits_flat, s_part, t_part = _sc_gather(
        idx_flat, tgt_flat, token_embedding_table)

    loss = _tc_loss(s_part.reshape(N_TOK * L // 128, 128),
                    t_part.reshape(N_TOK * L // 128, 128))[0, 0]
    logits = logits_flat.reshape(Bn, Tn, VOCAB)
    return (logits, loss)

# --- scband reference (transcript-rebuilt; emitter-appended) ---
"""Pipeline reference for scband-bigram-language-model-52115133169732 (READ-ONLY COPY).

The authoritative reference and input builder live on the scoring server;
editing this copy changes nothing except your own understanding.
"""

import jax, jax.numpy as jnp
import numpy as np

VOCAB = 8192
B, T = 4, 2048

def setup_inputs(seed: int = 0) -> dict:
    key = jax.random.key(seed)
    k1, k2, k3 = jax.random.split(key, 3)
    input_tensor = jax.random.randint(k1, (B, T), 0, VOCAB, dtype=jnp.int32)
    targets = jax.random.randint(k2, (B, T), 0, VOCAB, dtype=jnp.int32)
    token_embedding_table = jax.random.normal(k3, (VOCAB, VOCAB), dtype=jnp.float32) * 0.02
    return {"input_tensor": input_tensor, "targets": targets, "token_embedding_table": token_embedding_table}

def reference(input_tensor, targets, token_embedding_table):
    # logits = self.token_embedding_table(input_tensor)
    logits = jnp.take(token_embedding_table, input_tensor, axis=0)  # [B, T, C]
    Bn, Tn, C = logits.shape
    flat_logits = logits.reshape(Bn * Tn, C)
    flat_targets = targets.reshape(Bn * Tn)
    # F.cross_entropy(logits, targets) with mean reduction
    logp = jax.nn.log_softmax(flat_logits, axis=-1)
    nll = -jnp.take_along_axis(logp, flat_targets[:, None], axis=1)[:, 0]
    loss = jnp.mean(nll)
    return (logits, loss)

if __name__ == "__main__":
    import jax
    _d = setup_inputs()
    print(jax.jit(kernel)(*tuple(_d.values())))

</pallas_src>

<mosaic_0001>
#map = affine_map<(d0, d1) -> (0, 0)>
#map1 = affine_map<(d0, d1) -> (0)>
module attributes {stable_mosaic.version = 14 : i64} {
  func.func @_sc_gather_kernel(%arg0: i32, %arg1: i32, %arg2: memref<2048x4xi32, #tpu.memory_space<hbm>>, %arg3: memref<2048x16xi32, #tpu.memory_space<hbm>>, %arg4: memref<8192x8192xf32, #tpu.memory_space<hbm>>, %arg5: memref<8192x8192xf32, #tpu.memory_space<hbm>>, %arg6: memref<131072xf32, #tpu.memory_space<hbm>>, %arg7: memref<131072xf32, #tpu.memory_space<hbm>>, %arg8: memref<64x4xi32, #tpu.memory_space<vmem>>, %arg9: memref<64x16xi32, #tpu.memory_space<vmem>>, %arg10: memref<4x8192xf32, #tpu.memory_space<vmem>>, %arg11: memref<4x8192xf32, #tpu.memory_space<vmem>>, %arg12: memref<4096xf32, #tpu.memory_space<vmem>>, %arg13: memref<4096xf32, #tpu.memory_space<vmem>>, %arg14: memref<!tpu.dma_semaphore, #tpu.memory_space<semaphore_mem>>, %arg15: memref<!tpu.dma_semaphore, #tpu.memory_space<semaphore_mem>>, %arg16: memref<!tpu.dma_semaphore, #tpu.memory_space<semaphore_mem>>, %arg17: memref<!tpu.dma_semaphore, #tpu.memory_space<semaphore_mem>>) attributes {dimension_semantics = [#tpu.dimension_semantics<core_parallel>, #tpu.dimension_semantics<subcore_parallel>], iteration_bounds = array<i64: 2, 16>, scalar_prefetch = 0 : i64, scratch_operands = 10 : i64, tpu.core_type = #tpu.core_type<sc_vector_subcore>, window_params = [{transform_indices = #map}, {transform_indices = #map}, {transform_indices = #map}, {transform_indices = #map}, {transform_indices = #map1}, {transform_indices = #map1}]} {
    %mul3A = arith.constant 2 : i32
    %mul3A_0 = arith.muli %arg1, %mul3A : i32
    %add3A = arith.addi %mul3A_0, %arg0 : i32
    %mul3A_1 = arith.constant 256 : i32
    %mul3A_2 = arith.muli %add3A, %mul3A_1 : i32
    %iota3A = tpu.iota {dimensions = array<i32: 0>} : vector<16xi32>
    %mul3A_3 = arith.constant 64 : i32
    %mul3A_4 = arith.muli %add3A, %mul3A_3 : i32
    "tpu.region"() ({
      %run_scoped3A = tpu.sem_alloc : memref<!tpu.dma_semaphore, #tpu.memory_space<semaphore_mem>>
      %dma_start3A_29 = arith.constant 0 : i32
      %dma_start3A_30 = tpu.memref_slice %arg2[%mul3A_4, %dma_start3A_29] : memref<2048x4xi32, #tpu.memory_space<hbm>> -> memref<64x4xi32, #tpu.memory_space<hbm>>
      %dma_start3A_31 = arith.constant 0 : i32
      %dma_start3A_32 = tpu.memref_slice %arg2[%mul3A_4, %dma_start3A_31] : memref<2048x4xi32, #tpu.memory_space<hbm>> -> memref<64x4xi32, #tpu.memory_space<hbm>>
      tpu.enqueue_dma source(%dma_start3A_32 : memref<64x4xi32, #tpu.memory_space<hbm>>) target(%arg8 : memref<64x4xi32, #tpu.memory_space<vmem>>) target_semaphore(%run_scoped3A : memref<!tpu.dma_semaphore, #tpu.memory_space<semaphore_mem>>)
      %dma_wait3A = arith.constant 0 : i32
      %dma_wait3A_33 = tpu.memref_slice %arg2[%mul3A_4, %dma_wait3A] : memref<2048x4xi32, #tpu.memory_space<hbm>> -> memref<64x4xi32, #tpu.memory_space<hbm>>
      %dma_wait3A_34 = arith.constant 0 : i32
      %dma_wait3A_35 = tpu.memref_slice %arg2[%mul3A_4, %dma_wait3A_34] : memref<2048x4xi32, #tpu.memory_space<hbm>> -> memref<64x4xi32, #tpu.memory_space<hbm>>
      tpu.wait_dma2 semaphore(%run_scoped3A : memref<!tpu.dma_semaphore, #tpu.memory_space<semaphore_mem>>) src(%dma_wait3A_35 : memref<64x4xi32, #tpu.memory_space<hbm>>) dst(%arg8 : memref<64x4xi32, #tpu.memory_space<vmem>>)
      tpu.yield
    }) : () -> ()
    %mul3A_5 = arith.constant 64 : i32
    %mul3A_6 = arith.muli %add3A, %mul3A_5 : i32
    "tpu.region"() ({
      %run_scoped3A = tpu.sem_alloc : memref<!tpu.dma_semaphore, #tpu.memory_space<semaphore_mem>>
      %dma_start3A_29 = arith.constant 0 : i32
      %dma_start3A_30 = tpu.memref_slice %arg3[%mul3A_6, %dma_start3A_29] : memref<2048x16xi32, #tpu.memory_space<hbm>> -> memref<64x16xi32, #tpu.memory_space<hbm>>
      %dma_start3A_31 = arith.constant 0 : i32
      %dma_start3A_32 = tpu.memref_slice %arg3[%mul3A_6, %dma_start3A_31] : memref<2048x16xi32, #tpu.memory_space<hbm>> -> memref<64x16xi32, #tpu.memory_space<hbm>>
      tpu.enqueue_dma source(%dma_start3A_32 : memref<64x16xi32, #tpu.memory_space<hbm>>) target(%arg9 : memref<64x16xi32, #tpu.memory_space<vmem>>) target_semaphore(%run_scoped3A : memref<!tpu.dma_semaphore, #tpu.memory_space<semaphore_mem>>)
      %dma_wait3A = arith.constant 0 : i32
      %dma_wait3A_33 = tpu.memref_slice %arg3[%mul3A_6, %dma_wait3A] : memref<2048x16xi32, #tpu.memory_space<hbm>> -> memref<64x16xi32, #tpu.memory_space<hbm>>
      %dma_wait3A_34 = arith.constant 0 : i32
      %dma_wait3A_35 = tpu.memref_slice %arg3[%mul3A_6, %dma_wait3A_34] : memref<2048x16xi32, #tpu.memory_space<hbm>> -> memref<64x16xi32, #tpu.memory_space<hbm>>
      tpu.wait_dma2 semaphore(%run_scoped3A : memref<!tpu.dma_semaphore, #tpu.memory_space<semaphore_mem>>) src(%dma_wait3A_35 : memref<64x16xi32, #tpu.memory_space<hbm>>) dst(%arg9 : memref<64x16xi32, #tpu.memory_space<vmem>>)
      tpu.yield
    }) : () -> ()
    %dma_start3A = arith.constant 0 : i32
    %dma_start3A_7 = arith.constant 0 : i32
    %dma_start3A_8 = tpu.memref_slice %arg8[%dma_start3A, %dma_start3A_7] : memref<64x4xi32, #tpu.memory_space<vmem>> -> memref<1x4xi32, #tpu.memory_space<vmem>>
    %dma_start3A_9 = tpu.memref_squeeze %dma_start3A_8 : memref<1x4xi32, #tpu.memory_space<vmem>> -> memref<4xi32, #tpu.memory_space<vmem>>
    %dma_start3A_10 = arith.constant 0 : i32
    %dma_start3A_11 = arith.constant 0 : i32
    %dma_start3A_12 = tpu.memref_slice %arg4[%dma_start3A_10, %dma_start3A_11] : memref<8192x8192xf32, #tpu.memory_space<hbm>> -> memref<8192x8192xf32, #tpu.memory_space<hbm>>
    tpu.enqueue_indirect_dma source(%dma_start3A_12 : memref<8192x8192xf32, #tpu.memory_space<hbm>>) target(%arg10 : memref<4x8192xf32, #tpu.memory_space<vmem>>) offsets(%dma_start3A_9 : memref<4xi32, #tpu.memory_space<vmem>>) semaphore(%arg14 : memref<!tpu.dma_semaphore, #tpu.memory_space<semaphore_mem>>)
    %dma_start3A_13 = arith.constant 1 : i32
    %dma_start3A_14 = arith.constant 0 : i32
    %dma_start3A_15 = tpu.memref_slice %arg8[%dma_start3A_13, %dma_start3A_14] : memref<64x4xi32, #tpu.memory_space<vmem>> -> memref<1x4xi32, #tpu.memory_space<vmem>>
    %dma_start3A_16 = tpu.memref_squeeze %dma_start3A_15 : memref<1x4xi32, #tpu.memory_space<vmem>> -> memref<4xi32, #tpu.memory_space<vmem>>
    %dma_start3A_17 = arith.constant 0 : i32
    %dma_start3A_18 = arith.constant 0 : i32
    %dma_start3A_19 = tpu.memref_slice %arg4[%dma_start3A_17, %dma_start3A_18] : memref<8192x8192xf32, #tpu.memory_space<hbm>> -> memref<8192x8192xf32, #tpu.memory_space<hbm>>
    tpu.enqueue_indirect_dma source(%dma_start3A_19 : memref<8192x8192xf32, #tpu.memory_space<hbm>>) target(%arg11 : memref<4x8192xf32, #tpu.memory_space<vmem>>) offsets(%dma_start3A_16 : memref<4xi32, #tpu.memory_space<vmem>>) semaphore(%arg15 : memref<!tpu.dma_semaphore, #tpu.memory_space<semaphore_mem>>)
    %scan3A = arith.constant 0 : i32
    %scan3A_20 = arith.constant 0 : i32
    %scan3A_21 = arith.constant 32 : i32
    %scan3A_22 = arith.addi %scan3A_20, %scan3A_21 : i32
    %scan3A_23 = arith.constant 1 : i32
    scf.for %scan3A_29 = %scan3A_20 to %scan3A_22 step %scan3A_23  : i32 {
      %mul3A_30 = arith.constant 2 : i32
      %mul3A_31 = arith.muli %scan3A_29, %mul3A_30 : i32
      %add3A_32 = arith.constant 0 : i32
      %add3A_33 = arith.addi %mul3A_31, %add3A_32 : i32
      %dma_wait3A = arith.constant 0 : i32
      %dma_wait3A_34 = tpu.memref_slice %arg8[%add3A_33, %dma_wait3A] : memref<64x4xi32, #tpu.memory_space<vmem>> -> memref<1x4xi32, #tpu.memory_space<vmem>>
      %dma_wait3A_35 = tpu.memref_squeeze %dma_wait3A_34 : memref<1x4xi32, #tpu.memory_space<vmem>> -> memref<4xi32, #tpu.memory_space<vmem>>
      %dma_wait3A_36 = arith.constant 0 : i32
      %dma_wait3A_37 = arith.constant 0 : i32
      %dma_wait3A_38 = tpu.memref_slice %arg4[%dma_wait3A_36, %dma_wait3A_37] : memref<8192x8192xf32, #tpu.memory_space<hbm>> -> memref<8192x8192xf32, #tpu.memory_space<hbm>>
      tpu.wait_indirect_dma semaphore(%arg14 : memref<!tpu.dma_semaphore, #tpu.memory_space<semaphore_mem>>) src(%dma_wait3A_38 : memref<8192x8192xf32, #tpu.memory_space<hbm>>) dst(%arg10 : memref<4x8192xf32, #tpu.memory_space<vmem>>)
      %mul3A_39 = arith.constant 4 : i32
      %mul3A_40 = arith.muli %add3A_33, %mul3A_39 : i32
      %add3A_41 = arith.addi %mul3A_2, %mul3A_40 : i32
      %dma_start3A_42 = arith.constant 0 : i32
      %dma_start3A_43 = tpu.memref_slice %arg5[%add3A_41, %dma_start3A_42] : memref<8192x8192xf32, #tpu.memory_space<hbm>> -> memref<4x8192xf32, #tpu.memory_space<hbm>>
      %dma_start3A_44 = arith.constant 0 : i32
      %dma_start3A_45 = tpu.memref_slice %arg5[%add3A_41, %dma_start3A_44] : memref<8192x8192xf32, #tpu.memory_space<hbm>> -> memref<4x8192xf32, #tpu.memory_space<hbm>>
      tpu.enqueue_dma source(%arg10 : memref<4x8192xf32, #tpu.memory_space<vmem>>) target(%dma_start3A_45 : memref<4x8192xf32, #tpu.memory_space<hbm>>) target_semaphore(%arg16 : memref<!tpu.dma_semaphore, #tpu.memory_space<semaphore_mem>>)
      %get3A = arith.index_cast %add3A_33 : i32 to index
      %get3A_46 = arith.constant 0 : index
      %get3A_47 = tpu.vector_load %arg9[%get3A, %get3A_46] {strides = array<i32>} : memref<64x16xi32, #tpu.memory_space<vmem>>, vector<1x16xi32>,
      %get3A_48 = vector.shape_cast %get3A_47 : vector<1x16xi32> to vector<16xi32>
      %slice3A = vector.extract_strided_slice %get3A_48 {offsets = [0], sizes = [1], strides = [1]} : vector<16xi32> to vector<1xi32>
      %squeeze3A = vector.extract %slice3A[0] : i32 from vector<1xi32>
      %and3A = arith.constant -16 : i32
      %and3A_49 = arith.andi %squeeze3A, %and3A : i32
      %multiple_of3A = tpu.assume_multiple %and3A_49, 16 : i32
      %get3A_50 = arith.constant 0 : i32
      %get3A_51 = arith.index_cast %get3A_50 : i32 to index
      %get3A_52 = arith.index_cast %multiple_of3A : i32 to index
      %get3A_53 = tpu.vector_load %arg10[%get3A_51, %get3A_52] {strides = array<i32>} : memref<4x8192xf32, #tpu.memory_space<vmem>>, vector<1x16xf32>,
      %get3A_54 = vector.shape_cast %get3A_53 : vector<1x16xf32> to vector<16xf32>
      %and3A_55 = arith.constant 15 : i32
      %and3A_56 = arith.andi %squeeze3A, %and3A_55 : i32
      %eq3A = vector.broadcast %and3A_56 : i32 to vector<16xi32>
      %eq3A_57 = arith.cmpi eq, %iota3A, %eq3A : vector<16xi32>
      %jit3A = arith.constant 0.000000e+00 : f32
      %broadcast_in_dim3A = vector.broadcast %jit3A : f32 to vector<16xf32>
      %select_n3A = arith.select %eq3A_57, %get3A_54, %broadcast_in_dim3A : vector<16xi1>, vector<16xf32>
      %mul3A_58 = arith.constant 4 : i32
      %mul3A_59 = arith.muli %add3A_33, %mul3A_58 : i32
      %add3A_60 = arith.constant 0 : i32
      %add3A_61 = arith.addi %mul3A_59, %add3A_60 : i32
      %mul3A_62 = arith.constant 16 : i32
      %mul3A_63 = arith.muli %add3A_61, %mul3A_62 : i32
      %swap3A = arith.index_cast %mul3A_63 : i32 to index
      %swap3A_64 = tpu.vector_load %arg13[%swap3A] {strides = array<i32>} : memref<4096xf32, #tpu.memory_space<vmem>>, vector<16xf32>,
      %swap3A_65 = vector.shape_cast %swap3A_64 : vector<16xf32> to vector<16xf32>
      %swap3A_66 = vector.shape_cast %select_n3A : vector<16xf32> to vector<16xf32>
      tpu.vector_store %arg13[%swap3A], %swap3A_66 {strides = array<i32>} : memref<4096xf32, #tpu.memory_space<vmem>>, vector<16xf32>,
      %slice3A_67 = vector.extract_strided_slice %get3A_48 {offsets = [1], sizes = [1], strides = [1]} : vector<16xi32> to vector<1xi32>
      %squeeze3A_68 = vector.extract %slice3A_67[0] : i32 from vector<1xi32>
      %and3A_69 = arith.constant -16 : i32
      %and3A_70 = arith.andi %squeeze3A_68, %and3A_69 : i32
      %multiple_of3A_71 = tpu.assume_multiple %and3A_70, 16 : i32
      %get3A_72 = arith.constant 1 : i32
      %get3A_73 = arith.index_cast %get3A_72 : i32 to index
      %get3A_74 = arith.index_cast %multiple_of3A_71 : i32 to index
      %get3A_75 = tpu.vector_load %arg10[%get3A_73, %get3A_74] {strides = array<i32>} : memref<4x8192xf32, #tpu.memory_space<vmem>>, vector<1x16xf32>,
      %get3A_76 = vector.shape_cast %get3A_75 : vector<1x16xf32> to vector<16xf32>
      %and3A_77 = arith.constant 15 : i32
      %and3A_78 = arith.andi %squeeze3A_68, %and3A_77 : i32
      %eq3A_79 = vector.broadcast %and3A_78 : i32 to vector<16xi32>
      %eq3A_80 = arith.cmpi eq, %iota3A, %eq3A_79 : vector<16xi32>
      %jit3A_81 = arith.constant 0.000000e+00 : f32
      %broadcast_in_dim3A_82 = vector.broadcast %jit3A_81 : f32 to vector<16xf32>
      %select_n3A_83 = arith.select %eq3A_80, %get3A_76, %broadcast_in_dim3A_82 : vector<16xi1>, vector<16xf32>
      %mul3A_84 = arith.constant 4 : i32
      %mul3A_85 = arith.muli %add3A_33, %mul3A_84 : i32
      %add3A_86 = arith.constant 1 : i32
      %add3A_87 = arith.addi %mul3A_85, %add3A_86 : i32
      %mul3A_88 = arith.constant 16 : i32
      %mul3A_89 = arith.muli %add3A_87, %mul3A_88 : i32
      %swap3A_90 = arith.index_cast %mul3A_89 : i32 to index
      %swap3A_91 = tpu.vector_load %arg13[%swap3A_90] {strides = array<i32>} : memref<4096xf32, #tpu.memory_space<vmem>>, vector<16xf32>,
      %swap3A_92 = vector.shape_cast %swap3A_91 : vector<16xf32> to vector<16xf32>
      %swap3A_93 = vector.shape_cast %select_n3A_83 : vector<16xf32> to vector<16xf32>
      tpu.vector_store %arg13[%swap3A_90], %swap3A_93 {strides = array<i32>} : memref<4096xf32, #tpu.memory_space<vmem>>, vector<16xf32>,
      %slice3A_94 = vector.extract_strided_slice %get3A_48 {offsets = [2], sizes = [1], strides = [1]} : vector<16xi32> to vector<1xi32>
      %squeeze3A_95 = vector.extract %slice3A_94[0] : i32 from vector<1xi32>
      %and3A_96 = arith.constant -16 : i32
      %and3A_97 = arith.andi %squeeze3A_95, %and3A_96 : i32
      %multiple_of3A_98 = tpu.assume_multiple %and3A_97, 16 : i32
      %get3A_99 = arith.constant 2 : i32
      %get3A_100 = arith.index_cast %get3A_99 : i32 to index
      %get3A_101 = arith.index_cast %multiple_of3A_98 : i32 to index
      %get3A_102 = tpu.vector_load %arg10[%get3A_100, %get3A_101] {strides = array<i32>} : memref<4x8192xf32, #tpu.memory_space<vmem>>, vector<1x16xf32>,
      %get3A_103 = vector.shape_cast %get3A_102 : vector<1x16xf32> to vector<16xf32>
      %and3A_104 = arith.constant 15 : i32
      %and3A_105 = arith.andi %squeeze3A_95, %and3A_104 : i32
      %eq3A_106 = vector.broadcast %and3A_105 : i32 to vector<16xi32>
      %eq3A_107 = arith.cmpi eq, %iota3A, %eq3A_106 : vector<16xi32>
      %jit3A_108 = arith.constant 0.000000e+00 : f32
      %broadcast_in_dim3A_109 = vector.broadcast %jit3A_108 : f32 to vector<16xf32>
      %select_n3A_110 = arith.select %eq3A_107, %get3A_103, %broadcast_in_dim3A_109 : vector<16xi1>, vector<16xf32>
      %mul3A_111 = arith.constant 4 : i32
      %mul3A_112 = arith.muli %add3A_33, %mul3A_111 : i32
      %add3A_113 = arith.constant 2 : i32
      %add3A_114 = arith.addi %mul3A_112, %add3A_113 : i32
      %mul3A_115 = arith.constant 16 : i32
      %mul3A_116 = arith.muli %add3A_114, %mul3A_115 : i32
      %swap3A_117 = arith.index_cast %mul3A_116 : i32 to index
      %swap3A_118 = tpu.vector_load %arg13[%swap3A_117] {strides = array<i32>} : memref<4096xf32, #tpu.memory_space<vmem>>, vector<16xf32>,
      %swap3A_119 = vector.shape_cast %swap3A_118 : vector<16xf32> to vector<16xf32>
      %swap3A_120 = vector.shape_cast %select_n3A_110 : vector<16xf32> to vector<16xf32>
      tpu.vector_store %arg13[%swap3A_117], %swap3A_120 {strides = array<i32>} : memref<4096xf32, #tpu.memory_space<vmem>>, vector<16xf32>,
      %slice3A_121 = vector.extract_strided_slice %get3A_48 {offsets = [3], sizes = [1], strides = [1]} : vector<16xi32> to vector<1xi32>
      %squeeze3A_122 = vector.extract %slice3A_121[0] : i32 from vector<1xi32>
      %and3A_123 = arith.constant -16 : i32
      %and3A_124 = arith.andi %squeeze3A_122, %and3A_123 : i32
      %multiple_of3A_125 = tpu.assume_multiple %and3A_124, 16 : i32
      %get3A_126 = arith.constant 3 : i32
      %get3A_127 = arith.index_cast %get3A_126 : i32 to index
      %get3A_128 = arith.index_cast %multiple_of3A_125 : i32 to index
      %get3A_129 = tpu.vector_load %arg10[%get3A_127, %get3A_128] {strides = array<i32>} : memref<4x8192xf32, #tpu.memory_space<vmem>>, vector<1x16xf32>,
      %get3A_130 = vector.shape_cast %get3A_129 : vector<1x16xf32> to vector<16xf32>
      %and3A_131 = arith.constant 15 : i32
      %and3A_132 = arith.andi %squeeze3A_122, %and3A_131 : i32
      %eq3A_133 = vector.broadcast %and3A_132 : i32 to vector<16xi32>
      %eq3A_134 = arith.cmpi eq, %iota3A, %eq3A_133 : vector<16xi32>
      %jit3A_135 = arith.constant 0.000000e+00 : f32
      %broadcast_in_dim3A_136 = vector.broadcast %jit3A_135 : f32 to vector<16xf32>
      %select_n3A_137 = arith.select %eq3A_134, %get3A_130, %broadcast_in_dim3A_136 : vector<16xi1>, vector<16xf32>
      %mul3A_138 = arith.constant 4 : i32
      %mul3A_139 = arith.muli %add3A_33, %mul3A_138 : i32
      %add3A_140 = arith.constant 3 : i32
      %add3A_141 = arith.addi %mul3A_139, %add3A_140 : i32
      %mul3A_142 = arith.constant 16 : i32
      %mul3A_143 = arith.muli %add3A_141, %mul3A_142 : i32
      %swap3A_144 = arith.index_cast %mul3A_143 : i32 to index
      %swap3A_145 = tpu.vector_load %arg13[%swap3A_144] {strides = array<i32>} : memref<4096xf32, #tpu.memory_space<vmem>>, vector<16xf32>,
      %swap3A_146 = vector.shape_cast %swap3A_145 : vector<16xf32> to vector<16xf32>
      %swap3A_147 = vector.shape_cast %select_n3A_137 : vector<16xf32> to vector<16xf32>
      tpu.vector_store %arg13[%swap3A_144], %swap3A_147 {strides = array<i32>} : memref<4096xf32, #tpu.memory_space<vmem>>, vector<16xf32>,
      %broadcast_in_dim3A_148 = arith.constant 0.000000e+00 : f32
      %broadcast_in_dim3A_149 = vector.broadcast %broadcast_in_dim3A_148 : f32 to vector<16xf32>
      %scan3A_150 = arith.constant 0 : i32
      %scan3A_151 = arith.constant 512 : i32
      %scan3A_152 = arith.addi %scan3A_150, %scan3A_151 : i32
      %scan3A_153 = arith.constant 2 : i32
      %scan3A_154:4 = scf.for %scan3A_392 = %scan3A_150 to %scan3A_152 step %scan3A_153 iter_args(%scan3A_393 = %broadcast_in_dim3A_149, %scan3A_394 = %broadcast_in_dim3A_149, %scan3A_395 = %broadcast_in_dim3A_149, %scan3A_396 = %broadcast_in_dim3A_149) -> (vector<16xf32>, vector<16xf32>, vector<16xf32>, vector<16xf32>)  : i32 {
        %mul3A_397 = arith.constant 16 : i32
        %mul3A_398 = arith.muli %scan3A_392, %mul3A_397 : i32
        %get3A_399 = arith.constant 0 : i32
        %get3A_400 = arith.index_cast %get3A_399 : i32 to index
        %get3A_401 = arith.index_cast %mul3A_398 : i32 to index
        %get3A_402 = tpu.vector_load %arg10[%get3A_400, %get3A_401] {strides = array<i32>} : memref<4x8192xf32, #tpu.memory_space<vmem>>, vector<1x16xf32>,
        %get3A_403 = vector.shape_cast %get3A_402 : vector<1x16xf32> to vector<16xf32>
        %exp3A = math.exp %get3A_403 : vector<16xf32>
        %add3A_404 = arith.addf %scan3A_393, %exp3A : vector<16xf32>
        %get3A_405 = arith.constant 1 : i32
        %get3A_406 = arith.index_cast %get3A_405 : i32 to index
        %get3A_407 = arith.index_cast %mul3A_398 : i32 to index
        %get3A_408 = tpu.vector_load %arg10[%get3A_406, %get3A_407] {strides = array<i32>} : memref<4x8192xf32, #tpu.memory_space<vmem>>, vector<1x16xf32>,
        %get3A_409 = vector.shape_cast %get3A_408 : vector<1x16xf32> to vector<16xf32>
        %exp3A_410 = math.exp %get3A_409 : vector<16xf32>
        %add3A_411 = arith.addf %scan3A_394, %exp3A_410 : vector<16xf32>
        %get3A_412 = arith.constant 2 : i32
        %get3A_413 = arith.index_cast %get3A_412 : i32 to index
        %get3A_414 = arith.index_cast %mul3A_398 : i32 to index
        %get3A_415 = tpu.vector_load %arg10[%get3A_413, %get3A_414] {strides = array<i32>} : memref<4x8192xf32, #tpu.memory_space<vmem>>, vector<1x16xf32>,
        %get3A_416 = vector.shape_cast %get3A_415 : vector<1x16xf32> to vector<16xf32>
        %exp3A_417 = math.exp %get3A_416 : vector<16xf32>
        %add3A_418 = arith.addf %scan3A_395, %exp3A_417 : vector<16xf32>
        %get3A_419 = arith.constant 3 : i32
        %get3A_420 = arith.index_cast %get3A_419 : i32 to index
        %get3A_421 = arith.index_cast %mul3A_398 : i32 to index
        %get3A_422 = tpu.vector_load %arg10[%get3A_420, %get3A_421] {strides = array<i32>} : memref<4x8192xf32, #tpu.memory_space<vmem>>, vector<1x16xf32>,
        %get3A_423 = vector.shape_cast %get3A_422 : vector<1x16xf32> to vector<16xf32>
        %exp3A_424 = math.exp %get3A_423 : vector<16xf32>
        %add3A_425 = arith.addf %scan3A_396, %exp3A_424 : vector<16xf32>
        %scan3A_426 = arith.constant 1 : i32
        %scan3A_427 = arith.addi %scan3A_392, %scan3A_426 : i32
        %mul3A_428 = arith.constant 16 : i32
        %mul3A_429 = arith.muli %scan3A_427, %mul3A_428 : i32
        %get3A_430 = arith.constant 0 : i32
        %get3A_431 = arith.index_cast %get3A_430 : i32 to index
        %get3A_432 = arith.index_cast %mul3A_429 : i32 to index
        %get3A_433 = tpu.vector_load %arg10[%get3A_431, %get3A_432] {strides = array<i32>} : memref<4x8192xf32, #tpu.memory_space<vmem>>, vector<1x16xf32>,
        %get3A_434 = vector.shape_cast %get3A_433 : vector<1x16xf32> to vector<16xf32>
        %exp3A_435 = math.exp %get3A_434 : vector<16xf32>
        %add3A_436 = arith.addf %add3A_404, %exp3A_435 : vector<16xf32>
        %get3A_437 = arith.constant 1 : i32
        %get3A_438 = arith.index_cast %get3A_437 : i32 to index
        %get3A_439 = arith.index_cast %mul3A_429 : i32 to index
        %get3A_440 = tpu.vector_load %arg10[%get3A_438, %get3A_439] {strides = array<i32>} : memref<4x8192xf32, #tpu.memory_space<vmem>>, vector<1x16xf32>,
        %get3A_441 = vector.shape_cast %get3A_440 : vector<1x16xf32> to vector<16xf32>
        %exp3A_442 = math.exp %get3A_441 : vector<16xf32>
        %add3A_443 = arith.addf %add3A_411, %exp3A_442 : vector<16xf32>
        %get3A_444 = arith.constant 2 : i32
        %get3A_445 = arith.index_cast %get3A_444 : i32 to index
        %get3A_446 = arith.index_cast %mul3A_429 : i32 to index
        %get3A_447 = tpu.vector_load %arg10[%get3A_445, %get3A_446] {strides = array<i32>} : memref<4x8192xf32, #tpu.memory_space<vmem>>, vector<1x16xf32>,
        %get3A_448 = vector.shape_cast %get3A_447 : vector<1x16xf32> to vector<16xf32>
        %exp3A_449 = math.exp %get3A_448 : vector<16xf32>
        %add3A_450 = arith.addf %add3A_418, %exp3A_449 : vector<16xf32>
        %get3A_451 = arith.constant 3 : i32
        %get3A_452 = arith.index_cast %get3A_451 : i32 to index
        %get3A_453 = arith.index_cast %mul3A_429 : i32 to index
        %get3A_454 = tpu.vector_load %arg10[%get3A_452, %get3A_453] {strides = array<i32>} : memref<4x8192xf32, #tpu.memory_space<vmem>>, vector<1x16xf32>,
        %get3A_455 = vector.shape_cast %get3A_454 : vector<1x16xf32> to vector<16xf32>
        %exp3A_456 = math.exp %get3A_455 : vector<16xf32>
        %add3A_457 = arith.addf %add3A_425, %exp3A_456 : vector<16xf32>
        scf.yield %add3A_436, %add3A_443, %add3A_450, %add3A_457 : vector<16xf32>, vector<16xf32>, vector<16xf32>, vector<16xf32>
      }
      %scan3A_155 = arith.constant 512 : i32
      %mul3A_156 = arith.constant 4 : i32
      %mul3A_157 = arith.muli %add3A_33, %mul3A_156 : i32
      %add3A_158 = arith.constant 0 : i32
      %add3A_159 = arith.addi %mul3A_157, %add3A_158 : i32
      %mul3A_160 = arith.constant 16 : i32
      %mul3A_161 = arith.muli %add3A_159, %mul3A_160 : i32
      %swap3A_162 = arith.index_cast %mul3A_161 : i32 to index
      %swap3A_163 = tpu.vector_load %arg12[%swap3A_162] {strides = array<i32>} : memref<4096xf32, #tpu.memory_space<vmem>>, vector<16xf32>,
      %swap3A_164 = vector.shape_cast %swap3A_163 : vector<16xf32> to vector<16xf32>
      %swap3A_165 = vector.shape_cast %scan3A_154#0 : vector<16xf32> to vector<16xf32>
      tpu.vector_store %arg12[%swap3A_162], %swap3A_165 {strides = array<i32>} : memref<4096xf32, #tpu.memory_space<vmem>>, vector<16xf32>,
      %mul3A_166 = arith.constant 4 : i32
      %mul3A_167 = arith.muli %add3A_33, %mul3A_166 : i32
      %add3A_168 = arith.constant 1 : i32
      %add3A_169 = arith.addi %mul3A_167, %add3A_168 : i32
      %mul3A_170 = arith.constant 16 : i32
      %mul3A_171 = arith.muli %add3A_169, %mul3A_170 : i32
      %swap3A_172 = arith.index_cast %mul3A_171 : i32 to index
      %swap3A_173 = tpu.vector_load %arg12[%swap3A_172] {strides = array<i32>} : memref<4096xf32, #tpu.memory_space<vmem>>, vector<16xf32>,
      %swap3A_174 = vector.shape_cast %swap3A_173 : vector<16xf32> to vector<16xf32>
      %swap3A_175 = vector.shape_cast %scan3A_154#1 : vector<16xf32> to vector<16xf32>
      tpu.vector_store %arg12[%swap3A_172], %swap3A_175 {strides = array<i32>} : memref<4096xf32, #tpu.memory_space<vmem>>, vector<16xf32>,
      %mul3A_176 = arith.constant 4 : i32
      %mul3A_177 = arith.muli %add3A_33, %mul3A_176 : i32
      %add3A_178 = arith.constant 2 : i32
      %add3A_179 = arith.addi %mul3A_177, %add3A_178 : i32
      %mul3A_180 = arith.constant 16 : i32
      %mul3A_181 = arith.muli %add3A_179, %mul3A_180 : i32
      %swap3A_182 = arith.index_cast %mul3A_181 : i32 to index
      %swap3A_183 = tpu.vector_load %arg12[%swap3A_182] {strides = array<i32>} : memref<4096xf32, #tpu.memory_space<vmem>>, vector<16xf32>,
      %swap3A_184 = vector.shape_cast %swap3A_183 : vector<16xf32> to vector<16xf32>
      %swap3A_185 = vector.shape_cast %scan3A_154#2 : vector<16xf32> to vector<16xf32>
      tpu.vector_store %arg12[%swap3A_182], %swap3A_185 {strides = array<i32>} : memref<4096xf32, #tpu.memory_space<vmem>>, vector<16xf32>,
      %mul3A_186 = arith.constant 4 : i32
      %mul3A_187 = arith.muli %add3A_33, %mul3A_186 : i32
      %add3A_188 = arith.constant 3 : i32
      %add3A_189 = arith.addi %mul3A_187, %add3A_188 : i32
      %mul3A_190 = arith.constant 16 : i32
      %mul3A_191 = arith.muli %add3A_189, %mul3A_190 : i32
      %swap3A_192 = arith.index_cast %mul3A_191 : i32 to index
      %swap3A_193 = tpu.vector_load %arg12[%swap3A_192] {strides = array<i32>} : memref<4096xf32, #tpu.memory_space<vmem>>, vector<16xf32>,
      %swap3A_194 = vector.shape_cast %swap3A_193 : vector<16xf32> to vector<16xf32>
      %swap3A_195 = vector.shape_cast %scan3A_154#3 : vector<16xf32> to vector<16xf32>
      tpu.vector_store %arg12[%swap3A_192], %swap3A_195 {strides = array<i32>} : memref<4096xf32, #tpu.memory_space<vmem>>, vector<16xf32>,
      %dma_wait3A_196 = arith.constant 0 : i32
      %dma_wait3A_197 = tpu.memref_slice %arg5[%add3A_41, %dma_wait3A_196] : memref<8192x8192xf32, #tpu.memory_space<hbm>> -> memref<4x8192xf32, #tpu.memory_space<hbm>>
      %dma_wait3A_198 = arith.constant 0 : i32
      %dma_wait3A_199 = tpu.memref_slice %arg5[%add3A_41, %dma_wait3A_198] : memref<8192x8192xf32, #tpu.memory_space<hbm>> -> memref<4x8192xf32, #tpu.memory_space<hbm>>
      tpu.wait_dma2 semaphore(%arg16 : memref<!tpu.dma_semaphore, #tpu.memory_space<semaphore_mem>>) src(%arg10 : memref<4x8192xf32, #tpu.memory_space<vmem>>) dst(%dma_wait3A_199 : memref<4x8192xf32, #tpu.memory_space<hbm>>)
      %add3A_200 = arith.constant 2 : i32
      %add3A_201 = arith.addi %add3A_33, %add3A_200 : i32
      %lt3A = arith.constant 64 : i32
      %lt3A_202 = arith.cmpi slt, %add3A_201, %lt3A : i32
      %convert_element_type3A = arith.extui %lt3A_202 : i1 to i32
      %cond3A = arith.constant 0 : i32
      %cond3A_203 = arith.cmpi ne, %convert_element_type3A, %cond3A : i32
      scf.if %cond3A_203 {
        %add3A_392 = arith.constant 2 : i32
        %add3A_393 = arith.addi %add3A_33, %add3A_392 : i32
        %dma_start3A_394 = arith.constant 0 : i32
        %dma_start3A_395 = tpu.memref_slice %arg8[%add3A_393, %dma_start3A_394] : memref<64x4xi32, #tpu.memory_space<vmem>> -> memref<1x4xi32, #tpu.memory_space<vmem>>
        %dma_start3A_396 = tpu.memref_squeeze %dma_start3A_395 : memref<1x4xi32, #tpu.memory_space<vmem>> -> memref<4xi32, #tpu.memory_space<vmem>>
        %dma_start3A_397 = arith.constant 0 : i32
        %dma_start3A_398 = arith.constant 0 : i32
        %dma_start3A_399 = tpu.memref_slice %arg4[%dma_start3A_397, %dma_start3A_398] : memref<8192x8192xf32, #tpu.memory_space<hbm>> -> memref<8192x8192xf32, #tpu.memory_space<hbm>>
        tpu.enqueue_indirect_dma source(%dma_start3A_399 : memref<8192x8192xf32, #tpu.memory_space<hbm>>) target(%arg10 : memref<4x8192xf32, #tpu.memory_space<vmem>>) offsets(%dma_start3A_396 : memref<4xi32, #tpu.memory_space<vmem>>) semaphore(%arg14 : memref<!tpu.dma_semaphore, #tpu.memory_space<semaphore_mem>>)
      } else {
      }
      %mul3A_204 = arith.constant 2 : i32
      %mul3A_205 = arith.muli %scan3A_29, %mul3A_204 : i32
      %add3A_206 = arith.constant 1 : i32
      %add3A_207 = arith.addi %mul3A_205, %add3A_206 : i32
      %dma_wait3A_208 = arith.constant 0 : i32
      %dma_wait3A_209 = tpu.memref_slice %arg8[%add3A_207, %dma_wait3A_208] : memref<64x4xi32, #tpu.memory_space<vmem>> -> memref<1x4xi32, #tpu.memory_space<vmem>>
      %dma_wait3A_210 = tpu.memref_squeeze %dma_wait3A_209 : memref<1x4xi32, #tpu.memory_space<vmem>> -> memref<4xi32, #tpu.memory_space<vmem>>
      %dma_wait3A_211 = arith.constant 0 : i32
      %dma_wait3A_212 = arith.constant 0 : i32
      %dma_wait3A_213 = tpu.memref_slice %arg4[%dma_wait3A_211, %dma_wait3A_212] : memref<8192x8192xf32, #tpu.memory_space<hbm>> -> memref<8192x8192xf32, #tpu.memory_space<hbm>>
      tpu.wait_indirect_dma semaphore(%arg15 : memref<!tpu.dma_semaphore, #tpu.memory_space<semaphore_mem>>) src(%dma_wait3A_213 : memref<8192x8192xf32, #tpu.memory_space<hbm>>) dst(%arg11 : memref<4x8192xf32, #tpu.memory_space<vmem>>)
      %mul3A_214 = arith.constant 4 : i32
      %mul3A_215 = arith.muli %add3A_207, %mul3A_214 : i32
      %add3A_216 = arith.addi %mul3A_2, %mul3A_215 : i32
      %dma_start3A_217 = arith.constant 0 : i32
      %dma_start3A_218 = tpu.memref_slice %arg5[%add3A_216, %dma_start3A_217] : memref<8192x8192xf32, #tpu.memory_space<hbm>> -> memref<4x8192xf32, #tpu.memory_space<hbm>>
      %dma_start3A_219 = arith.constant 0 : i32
      %dma_start3A_220 = tpu.memref_slice %arg5[%add3A_216, %dma_start3A_219] : memref<8192x8192xf32, #tpu.memory_space<hbm>> -> memref<4x8192xf32, #tpu.memory_space<hbm>>
      tpu.enqueue_dma source(%arg11 : memref<4x8192xf32, #tpu.memory_space<vmem>>) target(%dma_start3A_220 : memref<4x8192xf32, #tpu.memory_space<hbm>>) target_semaphore(%arg17 : memref<!tpu.dma_semaphore, #tpu.memory_space<semaphore_mem>>)
      %get3A_221 = arith.index_cast %add3A_207 : i32 to index
      %get3A_222 = arith.constant 0 : index
      %get3A_223 = tpu.vector_load %arg9[%get3A_221, %get3A_222] {strides = array<i32>} : memref<64x16xi32, #tpu.memory_space<vmem>>, vector<1x16xi32>,
      %get3A_224 = vector.shape_cast %get3A_223 : vector<1x16xi32> to vector<16xi32>
      %slice3A_225 = vector.extract_strided_slice %get3A_224 {offsets = [0], sizes = [1], strides = [1]} : vector<16xi32> to vector<1xi32>
      %squeeze3A_226 = vector.extract %slice3A_225[0] : i32 from vector<1xi32>
      %and3A_227 = arith.constant -16 : i32
      %and3A_228 = arith.andi %squeeze3A_226, %and3A_227 : i32
      %multiple_of3A_229 = tpu.assume_multiple %and3A_228, 16 : i32
      %get3A_230 = arith.constant 0 : i32
      %get3A_231 = arith.index_cast %get3A_230 : i32 to index
      %get3A_232 = arith.index_cast %multiple_of3A_229 : i32 to index
      %get3A_233 = tpu.vector_load %arg11[%get3A_231, %get3A_232] {strides = array<i32>} : memref<4x8192xf32, #tpu.memory_space<vmem>>, vector<1x16xf32>,
      %get3A_234 = vector.shape_cast %get3A_233 : vector<1x16xf32> to vector<16xf32>
      %and3A_235 = arith.constant 15 : i32
      %and3A_236 = arith.andi %squeeze3A_226, %and3A_235 : i32
      %eq3A_237 = vector.broadcast %and3A_236 : i32 to vector<16xi32>
      %eq3A_238 = arith.cmpi eq, %iota3A, %eq3A_237 : vector<16xi32>
      %jit3A_239 = arith.constant 0.000000e+00 : f32
      %broadcast_in_dim3A_240 = vector.broadcast %jit3A_239 : f32 to vector<16xf32>
      %select_n3A_241 = arith.select %eq3A_238, %get3A_234, %broadcast_in_dim3A_240 : vector<16xi1>, vector<16xf32>
      %mul3A_242 = arith.constant 4 : i32
      %mul3A_243 = arith.muli %add3A_207, %mul3A_242 : i32
      %add3A_244 = arith.constant 0 : i32
      %add3A_245 = arith.addi %mul3A_243, %add3A_244 : i32
      %mul3A_246 = arith.constant 16 : i32
      %mul3A_247 = arith.muli %add3A_245, %mul3A_246 : i32
      %swap3A_248 = arith.index_cast %mul3A_247 : i32 to index
      %swap3A_249 = tpu.vector_load %arg13[%swap3A_248] {strides = array<i32>} : memref<4096xf32, #tpu.memory_space<vmem>>, vector<16xf32>,
      %swap3A_250 = vector.shape_cast %swap3A_249 : vector<16xf32> to vector<16xf32>
      %swap3A_251 = vector.shape_cast %select_n3A_241 : vector<16xf32> to vector<16xf32>
      tpu.vector_store %arg13[%swap3A_248], %swap3A_251 {strides = array<i32>} : memref<4096xf32, #tpu.memory_space<vmem>>, vector<16xf32>,
      %slice3A_252 = vector.extract_strided_slice %get3A_224 {offsets = [1], sizes = [1], strides = [1]} : vector<16xi32> to vector<1xi32>
      %squeeze3A_253 = vector.extract %slice3A_252[0] : i32 from vector<1xi32>
      %and3A_254 = arith.constant -16 : i32
      %and3A_255 = arith.andi %squeeze3A_253, %and3A_254 : i32
      %multiple_of3A_256 = tpu.assume_multiple %and3A_255, 16 : i32
      %get3A_257 = arith.constant 1 : i32
      %get3A_258 = arith.index_cast %get3A_257 : i32 to index
      %get3A_259 = arith.index_cast %multiple_of3A_256 : i32 to index
      %get3A_260 = tpu.vector_load %arg11[%get3A_258, %get3A_259] {strides = array<i32>} : memref<4x8192xf32, #tpu.memory_space<vmem>>, vector<1x16xf32>,
      %get3A_261 = vector.shape_cast %get3A_260 : vector<1x16xf32> to vector<16xf32>
      %and3A_262 = arith.constant 15 : i32
      %and3A_263 = arith.andi %squeeze3A_253, %and3A_262 : i32
      %eq3A_264 = vector.broadcast %and3A_263 : i32 to vector<16xi32>
      %eq3A_265 = arith.cmpi eq, %iota3A, %eq3A_264 : vector<16xi32>
      %jit3A_266 = arith.constant 0.000000e+00 : f32
      %broadcast_in_dim3A_267 = vector.broadcast %jit3A_266 : f32 to vector<16xf32>
      %select_n3A_268 = arith.select %eq3A_265, %get3A_261, %broadcast_in_dim3A_267 : vector<16xi1>, vector<16xf32>
      %mul3A_269 = arith.constant 4 : i32
      %mul3A_270 = arith.muli %add3A_207, %mul3A_269 : i32
      %add3A_271 = arith.constant 1 : i32
      %add3A_272 = arith.addi %mul3A_270, %add3A_271 : i32
      %mul3A_273 = arith.constant 16 : i32
      %mul3A_274 = arith.muli %add3A_272, %mul3A_273 : i32
      %swap3A_275 = arith.index_cast %mul3A_274 : i32 to index
      %swap3A_276 = tpu.vector_load %arg13[%swap3A_275] {strides = array<i32>} : memref<4096xf32, #tpu.memory_space<vmem>>, vector<16xf32>,
      %swap3A_277 = vector.shape_cast %swap3A_276 : vector<16xf32> to vector<16xf32>
      %swap3A_278 = vector.shape_cast %select_n3A_268 : vector<16xf32> to vector<16xf32>
      tpu.vector_store %arg13[%swap3A_275], %swap3A_278 {strides = array<i32>} : memref<4096xf32, #tpu.memory_space<vmem>>, vector<16xf32>,
      %slice3A_279 = vector.extract_strided_slice %get3A_224 {offsets = [2], sizes = [1], strides = [1]} : vector<16xi32> to vector<1xi32>
      %squeeze3A_280 = vector.extract %slice3A_279[0] : i32 from vector<1xi32>
      %and3A_281 = arith.constant -16 : i32
      %and3A_282 = arith.andi %squeeze3A_280, %and3A_281 : i32
      %multiple_of3A_283 = tpu.assume_multiple %and3A_282, 16 : i32
      %get3A_284 = arith.constant 2 : i32
      %get3A_285 = arith.index_cast %get3A_284 : i32 to index
      %get3A_286 = arith.index_cast %multiple_of3A_283 : i32 to index
      %get3A_287 = tpu.vector_load %arg11[%get3A_285, %get3A_286] {strides = array<i32>} : memref<4x8192xf32, #tpu.memory_space<vmem>>, vector<1x16xf32>,
      %get3A_288 = vector.shape_cast %get3A_287 : vector<1x16xf32> to vector<16xf32>
      %and3A_289 = arith.constant 15 : i32
      %and3A_290 = arith.andi %squeeze3A_280, %and3A_289 : i32
      %eq3A_291 = vector.broadcast %and3A_290 : i32 to vector<16xi32>
      %eq3A_292 = arith.cmpi eq, %iota3A, %eq3A_291 : vector<16xi32>
      %jit3A_293 = arith.constant 0.000000e+00 : f32
      %broadcast_in_dim3A_294 = vector.broadcast %jit3A_293 : f32 to vector<16xf32>
      %select_n3A_295 = arith.select %eq3A_292, %get3A_288, %broadcast_in_dim3A_294 : vector<16xi1>, vector<16xf32>
      %mul3A_296 = arith.constant 4 : i32
      %mul3A_297 = arith.muli %add3A_207, %mul3A_296 : i32
      %add3A_298 = arith.constant 2 : i32
      %add3A_299 = arith.addi %mul3A_297, %add3A_298 : i32
      %mul3A_300 = arith.constant 16 : i32
      %mul3A_301 = arith.muli %add3A_299, %mul3A_300 : i32
      %swap3A_302 = arith.index_cast %mul3A_301 : i32 to index
      %swap3A_303 = tpu.vector_load %arg13[%swap3A_302] {strides = array<i32>} : memref<4096xf32, #tpu.memory_space<vmem>>, vector<16xf32>,
      %swap3A_304 = vector.shape_cast %swap3A_303 : vector<16xf32> to vector<16xf32>
      %swap3A_305 = vector.shape_cast %select_n3A_295 : vector<16xf32> to vector<16xf32>
      tpu.vector_store %arg13[%swap3A_302], %swap3A_305 {strides = array<i32>} : memref<4096xf32, #tpu.memory_space<vmem>>, vector<16xf32>,
      %slice3A_306 = vector.extract_strided_slice %get3A_224 {offsets = [3], sizes = [1], strides = [1]} : vector<16xi32> to vector<1xi32>
      %squeeze3A_307 = vector.extract %slice3A_306[0] : i32 from vector<1xi32>
      %and3A_308 = arith.constant -16 : i32
      %and3A_309 = arith.andi %squeeze3A_307, %and3A_308 : i32
      %multiple_of3A_310 = tpu.assume_multiple %and3A_309, 16 : i32
      %get3A_311 = arith.constant 3 : i32
      %get3A_312 = arith.index_cast %get3A_311 : i32 to index
      %get3A_313 = arith.index_cast %multiple_of3A_310 : i32 to index
      %get3A_314 = tpu.vector_load %arg11[%get3A_312, %get3A_313] {strides = array<i32>} : memref<4x8192xf32, #tpu.memory_space<vmem>>, vector<1x16xf32>,
      %get3A_315 = vector.shape_cast %get3A_314 : vector<1x16xf32> to vector<16xf32>
      %and3A_316 = arith.constant 15 : i32
      %and3A_317 = arith.andi %squeeze3A_307, %and3A_316 : i32
      %eq3A_318 = vector.broadcast %and3A_317 : i32 to vector<16xi32>
      %eq3A_319 = arith.cmpi eq, %iota3A, %eq3A_318 : vector<16xi32>
      %jit3A_320 = arith.constant 0.000000e+00 : f32
      %broadcast_in_dim3A_321 = vector.broadcast %jit3A_320 : f32 to vector<16xf32>
      %select_n3A_322 = arith.select %eq3A_319, %get3A_315, %broadcast_in_dim3A_321 : vector<16xi1>, vector<16xf32>
      %mul3A_323 = arith.constant 4 : i32
      %mul3A_324 = arith.muli %add3A_207, %mul3A_323 : i32
      %add3A_325 = arith.constant 3 : i32
      %add3A_326 = arith.addi %mul3A_324, %add3A_325 : i32
      %mul3A_327 = arith.constant 16 : i32
      %mul3A_328 = arith.muli %add3A_326, %mul3A_327 : i32
      %swap3A_329 = arith.index_cast %mul3A_328 : i32 to index
      %swap3A_330 = tpu.vector_load %arg13[%swap3A_329] {strides = array<i32>} : memref<4096xf32, #tpu.memory_space<vmem>>, vector<16xf32>,
      %swap3A_331 = vector.shape_cast %swap3A_330 : vector<16xf32> to vector<16xf32>
      %swap3A_332 = vector.shape_cast %select_n3A_322 : vector<16xf32> to vector<16xf32>
      tpu.vector_store %arg13[%swap3A_329], %swap3A_332 {strides = array<i32>} : memref<4096xf32, #tpu.memory_space<vmem>>, vector<16xf32>,
      %broadcast_in_dim3A_333 = arith.constant 0.000000e+00 : f32
      %broadcast_in_dim3A_334 = vector.broadcast %broadcast_in_dim3A_333 : f32 to vector<16xf32>
      %scan3A_335 = arith.constant 0 : i32
      %scan3A_336 = arith.constant 512 : i32
      %scan3A_337 = arith.addi %scan3A_335, %scan3A_336 : i32
      %scan3A_338 = arith.constant 2 : i32
      %scan3A_339:4 = scf.for %scan3A_392 = %scan3A_335 to %scan3A_337 step %scan3A_338 iter_args(%scan3A_393 = %broadcast_in_dim3A_334, %scan3A_394 = %broadcast_in_dim3A_334, %scan3A_395 = %broadcast_in_dim3A_334, %scan3A_396 = %broadcast_in_dim3A_334) -> (vector<16xf32>, vector<16xf32>, vector<16xf32>, vector<16xf32>)  : i32 {
        %mul3A_397 = arith.constant 16 : i32
        %mul3A_398 = arith.muli %scan3A_392, %mul3A_397 : i32
        %get3A_399 = arith.constant 0 : i32
        %get3A_400 = arith.index_cast %get3A_399 : i32 to index
        %get3A_401 = arith.index_cast %mul3A_398 : i32 to index
        %get3A_402 = tpu.vector_load %arg11[%get3A_400, %get3A_401] {strides = array<i32>} : memref<4x8192xf32, #tpu.memory_space<vmem>>, vector<1x16xf32>,
        %get3A_403 = vector.shape_cast %get3A_402 : vector<1x16xf32> to vector<16xf32>
        %exp3A = math.exp %get3A_403 : vector<16xf32>
        %add3A_404 = arith.addf %scan3A_393, %exp3A : vector<16xf32>
        %get3A_405 = arith.constant 1 : i32
        %get3A_406 = arith.index_cast %get3A_405 : i32 to index
        %get3A_407 = arith.index_cast %mul3A_398 : i32 to index
        %get3A_408 = tpu.vector_load %arg11[%get3A_406, %get3A_407] {strides = array<i32>} : memref<4x8192xf32, #tpu.memory_space<vmem>>, vector<1x16xf32>,
        %get3A_409 = vector.shape_cast %get3A_408 : vector<1x16xf32> to vector<16xf32>
        %exp3A_410 = math.exp %get3A_409 : vector<16xf32>
        %add3A_411 = arith.addf %scan3A_394, %exp3A_410 : vector<16xf32>
        %get3A_412 = arith.constant 2 : i32
        %get3A_413 = arith.index_cast %get3A_412 : i32 to index
        %get3A_414 = arith.index_cast %mul3A_398 : i32 to index
        %get3A_415 = tpu.vector_load %arg11[%get3A_413, %get3A_414] {strides = array<i32>} : memref<4x8192xf32, #tpu.memory_space<vmem>>, vector<1x16xf32>,
        %get3A_416 = vector.shape_cast %get3A_415 : vector<1x16xf32> to vector<16xf32>
        %exp3A_417 = math.exp %get3A_416 : vector<16xf32>
        %add3A_418 = arith.addf %scan3A_395, %exp3A_417 : vector<16xf32>
        %get3A_419 = arith.constant 3 : i32
        %get3A_420 = arith.index_cast %get3A_419 : i32 to index
        %get3A_421 = arith.index_cast %mul3A_398 : i32 to index
        %get3A_422 = tpu.vector_load %arg11[%get3A_420, %get3A_421] {strides = array<i32>} : memref<4x8192xf32, #tpu.memory_space<vmem>>, vector<1x16xf32>,
        %get3A_423 = vector.shape_cast %get3A_422 : vector<1x16xf32> to vector<16xf32>
        %exp3A_424 = math.exp %get3A_423 : vector<16xf32>
        %add3A_425 = arith.addf %scan3A_396, %exp3A_424 : vector<16xf32>
        %scan3A_426 = arith.constant 1 : i32
        %scan3A_427 = arith.addi %scan3A_392, %scan3A_426 : i32
        %mul3A_428 = arith.constant 16 : i32
        %mul3A_429 = arith.muli %scan3A_427, %mul3A_428 : i32
        %get3A_430 = arith.constant 0 : i32
        %get3A_431 = arith.index_cast %get3A_430 : i32 to index
        %get3A_432 = arith.index_cast %mul3A_429 : i32 to index
        %get3A_433 = tpu.vector_load %arg11[%get3A_431, %get3A_432] {strides = array<i32>} : memref<4x8192xf32, #tpu.memory_space<vmem>>, vector<1x16xf32>,
        %get3A_434 = vector.shape_cast %get3A_433 : vector<1x16xf32> to vector<16xf32>
        %exp3A_435 = math.exp %get3A_434 : vector<16xf32>
        %add3A_436 = arith.addf %add3A_404, %exp3A_435 : vector<16xf32>
        %get3A_437 = arith.constant 1 : i32
        %get3A_438 = arith.index_cast %get3A_437 : i32 to index
        %get3A_439 = arith.index_cast %mul3A_429 : i32 to index
        %get3A_440 = tpu.vector_load %arg11[%get3A_438, %get3A_439] {strides = array<i32>} : memref<4x8192xf32, #tpu.memory_space<vmem>>, vector<1x16xf32>,
        %get3A_441 = vector.shape_cast %get3A_440 : vector<1x16xf32> to vector<16xf32>
        %exp3A_442 = math.exp %get3A_441 : vector<16xf32>
        %add3A_443 = arith.addf %add3A_411, %exp3A_442 : vector<16xf32>
        %get3A_444 = arith.constant 2 : i32
        %get3A_445 = arith.index_cast %get3A_444 : i32 to index
        %get3A_446 = arith.index_cast %mul3A_429 : i32 to index
        %get3A_447 = tpu.vector_load %arg11[%get3A_445, %get3A_446] {strides = array<i32>} : memref<4x8192xf32, #tpu.memory_space<vmem>>, vector<1x16xf32>,
        %get3A_448 = vector.shape_cast %get3A_447 : vector<1x16xf32> to vector<16xf32>
        %exp3A_449 = math.exp %get3A_448 : vector<16xf32>
        %add3A_450 = arith.addf %add3A_418, %exp3A_449 : vector<16xf32>
        %get3A_451 = arith.constant 3 : i32
        %get3A_452 = arith.index_cast %get3A_451 : i32 to index
        %get3A_453 = arith.index_cast %mul3A_429 : i32 to index
        %get3A_454 = tpu.vector_load %arg11[%get3A_452, %get3A_453] {strides = array<i32>} : memref<4x8192xf32, #tpu.memory_space<vmem>>, vector<1x16xf32>,
        %get3A_455 = vector.shape_cast %get3A_454 : vector<1x16xf32> to vector<16xf32>
        %exp3A_456 = math.exp %get3A_455 : vector<16xf32>
        %add3A_457 = arith.addf %add3A_425, %exp3A_456 : vector<16xf32>
        scf.yield %add3A_436, %add3A_443, %add3A_450, %add3A_457 : vector<16xf32>, vector<16xf32>, vector<16xf32>, vector<16xf32>
      }
      %scan3A_340 = arith.constant 512 : i32
      %mul3A_341 = arith.constant 4 : i32
      %mul3A_342 = arith.muli %add3A_207, %mul3A_341 : i32
      %add3A_343 = arith.constant 0 : i32
      %add3A_344 = arith.addi %mul3A_342, %add3A_343 : i32
      %mul3A_345 = arith.constant 16 : i32
      %mul3A_346 = arith.muli %add3A_344, %mul3A_345 : i32
      %swap3A_347 = arith.index_cast %mul3A_346 : i32 to index
      %swap3A_348 = tpu.vector_load %arg12[%swap3A_347] {strides = array<i32>} : memref<4096xf32, #tpu.memory_space<vmem>>, vector<16xf32>,
      %swap3A_349 = vector.shape_cast %swap3A_348 : vector<16xf32> to vector<16xf32>
      %swap3A_350 = vector.shape_cast %scan3A_339#0 : vector<16xf32> to vector<16xf32>
      tpu.vector_store %arg12[%swap3A_347], %swap3A_350 {strides = array<i32>} : memref<4096xf32, #tpu.memory_space<vmem>>, vector<16xf32>,
      %mul3A_351 = arith.constant 4 : i32
      %mul3A_352 = arith.muli %add3A_207, %mul3A_351 : i32
      %add3A_353 = arith.constant 1 : i32
      %add3A_354 = arith.addi %mul3A_352, %add3A_353 : i32
      %mul3A_355 = arith.constant 16 : i32
      %mul3A_356 = arith.muli %add3A_354, %mul3A_355 : i32
      %swap3A_357 = arith.index_cast %mul3A_356 : i32 to index
      %swap3A_358 = tpu.vector_load %arg12[%swap3A_357] {strides = array<i32>} : memref<4096xf32, #tpu.memory_space<vmem>>, vector<16xf32>,
      %swap3A_359 = vector.shape_cast %swap3A_358 : vector<16xf32> to vector<16xf32>
      %swap3A_360 = vector.shape_cast %scan3A_339#1 : vector<16xf32> to vector<16xf32>
      tpu.vector_store %arg12[%swap3A_357], %swap3A_360 {strides = array<i32>} : memref<4096xf32, #tpu.memory_space<vmem>>, vector<16xf32>,
      %mul3A_361 = arith.constant 4 : i32
      %mul3A_362 = arith.muli %add3A_207, %mul3A_361 : i32
      %add3A_363 = arith.constant 2 : i32
      %add3A_364 = arith.addi %mul3A_362, %add3A_363 : i32
      %mul3A_365 = arith.constant 16 : i32
      %mul3A_366 = arith.muli %add3A_364, %mul3A_365 : i32
      %swap3A_367 = arith.index_cast %mul3A_366 : i32 to index
      %swap3A_368 = tpu.vector_load %arg12[%swap3A_367] {strides = array<i32>} : memref<4096xf32, #tpu.memory_space<vmem>>, vector<16xf32>,
      %swap3A_369 = vector.shape_cast %swap3A_368 : vector<16xf32> to vector<16xf32>
      %swap3A_370 = vector.shape_cast %scan3A_339#2 : vector<16xf32> to vector<16xf32>
      tpu.vector_store %arg12[%swap3A_367], %swap3A_370 {strides = array<i32>} : memref<4096xf32, #tpu.memory_space<vmem>>, vector<16xf32>,
      %mul3A_371 = arith.constant 4 : i32
      %mul3A_372 = arith.muli %add3A_207, %mul3A_371 : i32
      %add3A_373 = arith.constant 3 : i32
      %add3A_374 = arith.addi %mul3A_372, %add3A_373 : i32
      %mul3A_375 = arith.constant 16 : i32
      %mul3A_376 = arith.muli %add3A_374, %mul3A_375 : i32
      %swap3A_377 = arith.index_cast %mul3A_376 : i32 to index
      %swap3A_378 = tpu.vector_load %arg12[%swap3A_377] {strides = array<i32>} : memref<4096xf32, #tpu.memory_space<vmem>>, vector<16xf32>,
      %swap3A_379 = vector.shape_cast %swap3A_378 : vector<16xf32> to vector<16xf32>
      %swap3A_380 = vector.shape_cast %scan3A_339#3 : vector<16xf32> to vector<16xf32>
      tpu.vector_store %arg12[%swap3A_377], %swap3A_380 {strides = array<i32>} : memref<4096xf32, #tpu.memory_space<vmem>>, vector<16xf32>,
      %dma_wait3A_381 = arith.constant 0 : i32
      %dma_wait3A_382 = tpu.memref_slice %arg5[%add3A_216, %dma_wait3A_381] : memref<8192x8192xf32, #tpu.memory_space<hbm>> -> memref<4x8192xf32, #tpu.memory_space<hbm>>
      %dma_wait3A_383 = arith.constant 0 : i32
      %dma_wait3A_384 = tpu.memref_slice %arg5[%add3A_216, %dma_wait3A_383] : memref<8192x8192xf32, #tpu.memory_space<hbm>> -> memref<4x8192xf32, #tpu.memory_space<hbm>>
      tpu.wait_dma2 semaphore(%arg17 : memref<!tpu.dma_semaphore, #tpu.memory_space<semaphore_mem>>) src(%arg11 : memref<4x8192xf32, #tpu.memory_space<vmem>>) dst(%dma_wait3A_384 : memref<4x8192xf32, #tpu.memory_space<hbm>>)
      %add3A_385 = arith.constant 2 : i32
      %add3A_386 = arith.addi %add3A_207, %add3A_385 : i32
      %lt3A_387 = arith.constant 64 : i32
      %lt3A_388 = arith.cmpi slt, %add3A_386, %lt3A_387 : i32
      %convert_element_type3A_389 = arith.extui %lt3A_388 : i1 to i32
      %cond3A_390 = arith.constant 0 : i32
      %cond3A_391 = arith.cmpi ne, %convert_element_type3A_389, %cond3A_390 : i32
      scf.if %cond3A_391 {
        %add3A_392 = arith.constant 2 : i32
        %add3A_393 = arith.addi %add3A_207, %add3A_392 : i32
        %dma_start3A_394 = arith.constant 0 : i32
        %dma_start3A_395 = tpu.memref_slice %arg8[%add3A_393, %dma_start3A_394] : memref<64x4xi32, #tpu.memory_space<vmem>> -> memref<1x4xi32, #tpu.memory_space<vmem>>
        %dma_start3A_396 = tpu.memref_squeeze %dma_start3A_395 : memref<1x4xi32, #tpu.memory_space<vmem>> -> memref<4xi32, #tpu.memory_space<vmem>>
        %dma_start3A_397 = arith.constant 0 : i32
        %dma_start3A_398 = arith.constant 0 : i32
        %dma_start3A_399 = tpu.memref_slice %arg4[%dma_start3A_397, %dma_start3A_398] : memref<8192x8192xf32, #tpu.memory_space<hbm>> -> memref<8192x8192xf32, #tpu.memory_space<hbm>>
        tpu.enqueue_indirect_dma source(%dma_start3A_399 : memref<8192x8192xf32, #tpu.memory_space<hbm>>) target(%arg11 : memref<4x8192xf32, #tpu.memory_space<vmem>>) offsets(%dma_start3A_396 : memref<4xi32, #tpu.memory_space<vmem>>) semaphore(%arg15 : memref<!tpu.dma_semaphore, #tpu.memory_space<semaphore_mem>>)
      } else {
      }
    }
    %scan3A_24 = arith.constant 32 : i32
    %mul3A_25 = arith.constant 16 : i32
    %mul3A_26 = arith.muli %mul3A_2, %mul3A_25 : i32
    "tpu.region"() ({
      %run_scoped3A = tpu.sem_alloc : memref<!tpu.dma_semaphore, #tpu.memory_space<semaphore_mem>>
      %dma_start3A_29 = tpu.memref_slice %arg7[%mul3A_26] : memref<131072xf32, #tpu.memory_space<hbm>> -> memref<4096xf32, #tpu.memory_space<hbm>>
      %dma_start3A_30 = tpu.memref_slice %arg7[%mul3A_26] : memref<131072xf32, #tpu.memory_space<hbm>> -> memref<4096xf32, #tpu.memory_space<hbm>>
      tpu.enqueue_dma source(%arg13 : memref<4096xf32, #tpu.memory_space<vmem>>) target(%dma_start3A_30 : memref<4096xf32, #tpu.memory_space<hbm>>) target_semaphore(%run_scoped3A : memref<!tpu.dma_semaphore, #tpu.memory_space<semaphore_mem>>)
      %dma_wait3A = tpu.memref_slice %arg7[%mul3A_26] : memref<131072xf32, #tpu.memory_space<hbm>> -> memref<4096xf32, #tpu.memory_space<hbm>>
      %dma_wait3A_31 = tpu.memref_slice %arg7[%mul3A_26] : memref<131072xf32, #tpu.memory_space<hbm>> -> memref<4096xf32, #tpu.memory_space<hbm>>
      tpu.wait_dma2 semaphore(%run_scoped3A : memref<!tpu.dma_semaphore, #tpu.memory_space<semaphore_mem>>) src(%arg13 : memref<4096xf32, #tpu.memory_space<vmem>>) dst(%dma_wait3A_31 : memref<4096xf32, #tpu.memory_space<hbm>>)
      tpu.yield
    }) : () -> ()
    %mul3A_27 = arith.constant 16 : i32
    %mul3A_28 = arith.muli %mul3A_2, %mul3A_27 : i32
    "tpu.region"() ({
      %run_scoped3A = tpu.sem_alloc : memref<!tpu.dma_semaphore, #tpu.memory_space<semaphore_mem>>
      %dma_start3A_29 = tpu.memref_slice %arg6[%mul3A_28] : memref<131072xf32, #tpu.memory_space<hbm>> -> memref<4096xf32, #tpu.memory_space<hbm>>
      %dma_start3A_30 = tpu.memref_slice %arg6[%mul3A_28] : memref<131072xf32, #tpu.memory_space<hbm>> -> memref<4096xf32, #tpu.memory_space<hbm>>
      tpu.enqueue_dma source(%arg12 : memref<4096xf32, #tpu.memory_space<vmem>>) target(%dma_start3A_30 : memref<4096xf32, #tpu.memory_space<hbm>>) target_semaphore(%run_scoped3A : memref<!tpu.dma_semaphore, #tpu.memory_space<semaphore_mem>>)
      %dma_wait3A = tpu.memref_slice %arg6[%mul3A_28] : memref<131072xf32, #tpu.memory_space<hbm>> -> memref<4096xf32, #tpu.memory_space<hbm>>
      %dma_wait3A_31 = tpu.memref_slice %arg6[%mul3A_28] : memref<131072xf32, #tpu.memory_space<hbm>> -> memref<4096xf32, #tpu.memory_space<hbm>>
      tpu.wait_dma2 semaphore(%run_scoped3A : memref<!tpu.dma_semaphore, #tpu.memory_space<semaphore_mem>>) src(%arg12 : memref<4096xf32, #tpu.memory_space<vmem>>) dst(%dma_wait3A_31 : memref<4096xf32, #tpu.memory_space<hbm>>)
      tpu.yield
    }) : () -> ()
    return
  }
}

module attributes {stable_mosaic.version = 14 : i64} {
  func.func @_tc_loss_kernel(%arg0: memref<1024x128xf32, #tpu.memory_space<vmem>>, %arg1: memref<1024x128xf32, #tpu.memory_space<vmem>>, %arg2: memref<1x1xf32, #tpu.memory_space<smem>>) attributes {dimension_semantics = [], scalar_prefetch = 0 : i64, scratch_operands = 0 : i64, tpu.core_type = #tpu.core_type<tc>} {
    %iota3A = tpu.iota {dimensions = array<i32: 0>} : vector<128x8xi32>
    %iota3A_0 = tpu.iota {dimensions = array<i32: 1>} : vector<128x8xi32>
    %jit3A = arith.constant 16 : i32
    %div3A = vector.broadcast %jit3A : i32 to vector<128x8xi32>
    %div3A_1 = arith.divsi %iota3A, %div3A : vector<128x8xi32>
    %sign3A = arith.constant 0 : i32
    %sign3A_2 = vector.broadcast %sign3A : i32 to vector<128x8xi32>
    %sign3A_3 = arith.cmpi sgt, %iota3A, %sign3A_2 : vector<128x8xi32>
    %sign3A_4 = arith.extui %sign3A_3 : vector<128x8xi1> to vector<128x8xi32>
    %sign3A_5 = arith.constant 0 : i32
    %sign3A_6 = vector.broadcast %sign3A_5 : i32 to vector<128x8xi32>
    %sign3A_7 = arith.cmpi slt, %iota3A, %sign3A_6 : vector<128x8xi32>
    %sign3A_8 = arith.extui %sign3A_7 : vector<128x8xi1> to vector<128x8xi32>
    %sign3A_9 = arith.subi %sign3A_4, %sign3A_8 : vector<128x8xi32>
    %sign3A_10 = arith.constant 0 : i32
    %sign3A_11 = arith.cmpi sgt, %jit3A, %sign3A_10 : i32
    %sign3A_12 = arith.extui %sign3A_11 : i1 to i32
    %sign3A_13 = arith.constant 0 : i32
    %sign3A_14 = arith.cmpi slt, %jit3A, %sign3A_13 : i32
    %sign3A_15 = arith.extui %sign3A_14 : i1 to i32
    %sign3A_16 = arith.subi %sign3A_12, %sign3A_15 : i32
    %ne3A = vector.broadcast %sign3A_16 : i32 to vector<128x8xi32>
    %ne3A_17 = arith.cmpi ne, %sign3A_9, %ne3A : vector<128x8xi32>
    %rem3A = vector.broadcast %jit3A : i32 to vector<128x8xi32>
    %rem3A_18 = arith.remsi %iota3A, %rem3A : vector<128x8xi32>
    %ne3A_19 = arith.constant 0 : i32
    %ne3A_20 = vector.broadcast %ne3A_19 : i32 to vector<128x8xi32>
    %ne3A_21 = arith.cmpi ne, %rem3A_18, %ne3A_20 : vector<128x8xi32>
    %and3A = arith.andi %ne3A_17, %ne3A_21 : vector<128x8xi1>
    %sub3A = arith.constant 1 : i32
    %sub3A_22 = vector.broadcast %sub3A : i32 to vector<128x8xi32>
    %sub3A_23 = arith.subi %div3A_1, %sub3A_22 : vector<128x8xi32>
    %select_n3A = arith.select %and3A, %sub3A_23, %div3A_1 : vector<128x8xi1>, vector<128x8xi32>
    %eq3A = arith.cmpi eq, %select_n3A, %iota3A_0 : vector<128x8xi32>
    %jit3A_24 = arith.constant 1.000000e+00 : f32
    %jit3A_25 = arith.constant 0.000000e+00 : f32
    %broadcast_in_dim3A = vector.broadcast %jit3A_24 : f32 to vector<128x8xf32>
    %broadcast_in_dim3A_26 = vector.broadcast %jit3A_25 : f32 to vector<128x8xf32>
    %select_n3A_27 = arith.select %eq3A, %broadcast_in_dim3A, %broadcast_in_dim3A_26 : vector<128x8xi1>, vector<128x8xf32>
    %get3A = arith.constant 0 : index
    %get3A_28 = arith.constant 0 : index
    %get3A_29 = vector.load %arg0[%get3A, %get3A_28] : memref<1024x128xf32, #tpu.memory_space<vmem>>, vector<1024x128xf32>
    %dot_general3A = arith.constant dense<0.000000e+00> : vector<1024x8xf32>
    %dot_general3A_30 = tpu.matmul %get3A_29, %select_n3A_27, %dot_general3A {dimension_numbers = #tpu.dot_dimension_numbers<[1], [0], [0], [1], [0, 0, 1, 1], [], []>, precision = #tpu.contract_precision<fp32>, transpose_lhs_hint = false} : vector<1024x128xf32>, vector<128x8xf32>, vector<1024x8xf32> -> vector<1024x8xf32>
    %log3A = math.log %dot_general3A_30 : vector<1024x8xf32>
    %reduce_sum3A = vector.shape_cast %log3A : vector<1024x8xf32> to vector<1x1024x8xf32>
    %reduce_sum3A_31 = arith.constant dense<0.000000e+00> : vector<1xf32>
    %reduce_sum3A_32 = vector.multi_reduction <add>, %reduce_sum3A, %reduce_sum3A_31 [1, 2] : vector<1x1024x8xf32> to vector<1xf32>
    %reduce_sum3A_33 = vector.shape_cast %reduce_sum3A_32 : vector<1xf32> to vector<1x1x1xf32>
    %reduce_sum3A_34 = vector.extract %reduce_sum3A_33[0, 0, 0] : f32 from vector<1x1x1xf32>
    %get3A_35 = arith.constant 0 : index
    %get3A_36 = arith.constant 0 : index
    %get3A_37 = vector.load %arg1[%get3A_35, %get3A_36] : memref<1024x128xf32, #tpu.memory_space<vmem>>, vector<1024x128xf32>
    %reduce_sum3A_38 = vector.shape_cast %get3A_37 : vector<1024x128xf32> to vector<1x1024x128xf32>
    %reduce_sum3A_39 = arith.constant dense<0.000000e+00> : vector<1xf32>
    %reduce_sum3A_40 = vector.multi_reduction <add>, %reduce_sum3A_38, %reduce_sum3A_39 [1, 2] : vector<1x1024x128xf32> to vector<1xf32>
    %reduce_sum3A_41 = vector.shape_cast %reduce_sum3A_40 : vector<1xf32> to vector<1x1x1xf32>
    %reduce_sum3A_42 = vector.extract %reduce_sum3A_41[0, 0, 0] : f32 from vector<1x1x1xf32>
    %sub3A_43 = arith.subf %reduce_sum3A_34, %reduce_sum3A_42 : f32
    %div3A_44 = arith.constant 8.192000e+03 : f32
    %div3A_45 = arith.divf %sub3A_43, %div3A_44 : f32
    %swap3A = arith.constant 0 : index
    %swap3A_46 = arith.constant 0 : index
    %swap3A_47 = memref.load %arg2[%swap3A, %swap3A_46] : memref<1x1xf32, #tpu.memory_space<smem>>
    memref.store %div3A_45, %arg2[%swap3A, %swap3A_46] : memref<1x1xf32, #tpu.memory_space<smem>>
    return
  }
}

</mosaic_0001>

<sc_bundles>
// kernel: kernel.4.cloned.1.call-start
scs
__scs_entry_jumppad:
0x0: {  	(pc) =	sbr.rel $0x88, $3  }
0x1: {  	(tag) =	ssettag $0x0;
	lr =	simm.s32 $0x1  }
0x2: {  	[smem:$0x3F9E] =	sst lr;
	_ =	strace $0xD0000000  }
0x3: {  	_ = 	snop  }
0x4: {  	_ = 	snop  }
0x5: {  	_ = 	snop  }
0x6: {  	_ = 	snop  }
0x7: {  	_ = 	snop  }
__scs_overlays_trampoline_lowered:
0x8: {  	[smem:$0x3FAD] =	sst s0  }
0x9: {  	[smem:$0x3FAE] =	sst s1  }
0xa: {  	[smem:$0x3FAF] =	sst s2  }
0xb: {  	[smem:$0x3FB0] =	sst s3  }
0xc: {  	[smem:$0x3FB1] =	sst s4  }
0xd: {  	[smem:$0x3FB2] =	sst s5  }
0xe: {  	[smem:$0x3FB3] =	sst s6  }
0xf: {  	[smem:$0x3FB4] =	sst s7  }
0x10: {  	[smem:$0x3FB5] =	sst s8  }
0x11: {  	[smem:$0x3FB6] =	sst s9;
	s0 =	simm.s32 @!p0 $0x0  }
0x12: {  	s1 =	sld [smem:$0x3F9C];
	s0 =	simm.s32 @p0 $0x1  }
0x13: {  	[smem:$0x3FB7] =	sst s0;
	s0 =	simm.s32 @!p1 $0x0  }
0x14: {  	s2 =	sld [smem:$0x3F9B];
	s0 =	simm.s32 @p1 $0x1  }
0x15: {  	[smem:$0x3FB8] =	sst s0;
	s0 =	simm.s32 @!p2 $0x0  }
0x16: {  	s3 =	sld [smem:$0x3FDB];
	s0 =	simm.s32 @p2 $0x1  }
0x17: {  	s4 =	simm.s32 $0x1BF5;
	[smem:$0x3FBA] =	sst s0  }
0x18: {  	s0 =	sld [smem:$0x3F9D];
	_ =	swait.ge [sflag:s4], $0x0  }
0x19: {  	s7 =	sld [smem:$0x3F9E]  }
0x1a: {  	s8 =	sadd.s32 $0xFFFFE003, lr  }
0x1b: {  	s9 =	sadd.s32 $0xFFFFFEF7, lr;
	s5 =	simm.s32 $0xFFFFFFFF;
	p2 =	slt.u32 s8, $0xFFFFF086  }
0x1c: {  	p1 =	slt.u32 s9, $0xF7A;
	s5 =	simm.s32 @!p2 $0x0  }
0x1d: {  	s5 =	simm.s32 @p1 $0x1;
	p0 =	seq.s32 s7, s2  }
0x1e: {  	s7 =	smul.u32 @!p0 $0xF7A, s2;
	p2 =	seq.s32 @!p0 s5, $0x0  }
0x1f: {  	s9 =	smul.u32 $0xF7A, s1;
	s8 =	simm.s32 @!p0 $0x1BF5;
	p2 =	por !p2, p0  }
0x20: {  	[sflag:s8] =	ssyncset.s32 @!p0 $0xFFFFF086;
	s6 =	sadd.s32 @!p0 s3, s7;
	s7 =	simm.s32 @!p0 $0x108  }
0x21: {  	s3 =	sadd.s32 s3, s9;
	s6 =	sadd.s32 @!p0 $0x88, s6;
	s7 =	simm.s32 @p2 $0x1082  }
0x22: {  	[simem:s7], [sflag:s8] =	dma.local @!p0 [hbm:s6], $0xF7A  }
0x23: {  	s9 =	sor.u32 $0xD0000000, s2;
	s6 =	simm.s32 $0x108;
	_ =	swait.ge @!p0 [sflag:s8], $0x0  }
0x24: {  	s3 =	sadd.s32 $0x88, s3;
	s6 =	simm.s32 @!p1 $0x1082;
	[sflag:s4] =	ssyncset.s32 $0xFFFFF086  }
0x25: {  	[simem:s6], [sflag:s4] =	dma.local [hbm:s3], $0xF7A  }
0x26: {  	[smem:$0x3F9E] =	sst s1;
	(tag) =	ssettag s2;
	_ =	strace s9  }
0x27: {  	s1 =	sld [smem:$0x3FAE]  }
0x28: {  	s2 =	sld [smem:$0x3FAF]  }
0x29: {  	s4 =	sld [smem:$0x3FB1]  }
0x2a: {  	p0 =	seq.s32 s5, $0x0;
	s5 =	sld [smem:$0x3FB2]  }
0x2b: {  	s6 =	sld [smem:$0x3FB3]  }
0x2c: {  	s7 =	sld [smem:$0x3FB4]  }
0x2d: {  	s3 =	simm.s32 $0x108;
	s8 =	sld [smem:$0x3FB5]  }
0x2e: {  	s3 =	simm.s32 @!p0 $0x1082;
	s9 =	sld [smem:$0x3FB6]  }
0x2f: {  	lr =	sadd.s32 s0, s3;
	s0 =	sld [smem:$0x3FAD]  }
0x30: {  	s3 =	sld [smem:$0x3FB0]  }
0x31: {  	[smem:$0x3FB9] =	sst s10  }
0x32: {  	s10 =	sld [smem:$0x3FB7];
	_ =	sdelay $0x3  }
0x33: {  	p0 =	seq.s32 s10, $0x1;
	s10 =	sld [smem:$0x3FB9];
	_ =	sdelay $0x3  }
0x34: {  	[smem:$0x3FB9] =	sst s10  }
0x35: {  	s10 =	sld [smem:$0x3FB8];
	_ =	sdelay $0x3  }
0x36: {  	p1 =	seq.s32 s10, $0x1;
	s10 =	sld [smem:$0x3FB9];
	_ =	sdelay $0x3  }
0x37: {  	[smem:$0x3FB9] =	sst s10  }
0x38: {  	s10 =	sld [smem:$0x3FBA]  }
0x39: {  	_ = 	snop;
	(pc) =	sbr.ind lr, $3  }
0x3a: {  	_ = 	snop  }
0x3b: {  	_ = 	snop  }
0x3c: {  	p2 =	seq.s32 s10, $0x1;
	s10 =	sld [smem:$0x3FB9]  }
0x3d: {  	_ =	shalt  }
0x3e: {  	_ =	shalt  }
0x3f: {  	_ =	shalt  }
0x40: {  	_ =	shalt  }
0x41: {  	_ =	shalt  }
0x42: {  	_ =	shalt  }
0x43: {  	_ =	shalt  }
0x44: {  	_ =	shalt  }
0x45: {  	_ =	shalt  }
0x46: {  	_ =	shalt  }
0x47: {  	_ =	shalt  }
0x48: {  	_ =	shalt  }
0x49: {  	_ =	shalt  }
0x4a: {  	_ =	shalt  }
0x4b: {  	_ =	shalt  }
0x4c: {  	_ =	shalt  }
0x4d: {  	_ =	shalt  }
0x4e: {  	_ =	shalt  }
0x4f: {  	_ =	shalt  }
0x50: {  	_ =	shalt  }
0x51: {  	_ =	shalt  }
0x52: {  	_ =	shalt  }
0x53: {  	_ =	shalt  }
0x54: {  	_ =	shalt  }
0x55: {  	_ =	shalt  }
0x56: {  	_ =	shalt  }
0x57: {  	_ =	shalt  }
0x58: {  	_ =	shalt  }
0x59: {  	_ =	shalt  }
0x5a: {  	_ =	shalt  }
0x5b: {  	_ =	shalt  }
0x5c: {  	_ =	shalt  }
0x5d: {  	_ =	shalt  }
0x5e: {  	_ =	shalt  }
0x5f: {  	_ =	shalt  }
0x60: {  	_ =	shalt  }
0x61: {  	_ =	shalt  }
0x62: {  	_ =	shalt  }
0x63: {  	_ =	shalt  }
0x64: {  	_ =	shalt  }
0x65: {  	_ =	shalt  }
0x66: {  	_ =	shalt  }
0x67: {  	_ =	shalt  }
0x68: {  	_ =	shalt  }
0x69: {  	_ =	shalt  }
0x6a: {  	_ =	shalt  }
0x6b: {  	_ =	shalt  }
0x6c: {  	_ =	shalt  }
0x6d: {  	_ =	shalt  }
0x6e: {  	_ =	shalt  }
0x6f: {  	_ =	shalt  }
0x70: {  	_ =	shalt  }
0x71: {  	_ =	shalt  }
0x72: {  	_ =	shalt  }
0x73: {  	_ =	shalt  }
0x74: {  	_ =	shalt  }
0x75: {  	_ =	shalt  }
0x76: {  	_ =	shalt  }
0x77: {  	_ =	shalt  }
0x78: {  	_ =	shalt  }
0x79: {  	_ =	shalt  }
0x7a: {  	_ =	shalt  }
0x7b: {  	_ =	shalt  }
0x7c: {  	_ =	shalt  }
0x7d: {  	_ =	shalt  }
0x7e: {  	_ =	shalt  }
0x7f: {  	_ =	shalt  }
0x80: {  	_ =	shalt  }
0x81: {  	_ =	shalt  }
0x82: {  	_ =	shalt  }
0x83: {  	_ =	shalt  }
0x84: {  	_ =	shalt  }
0x85: {  	_ =	shalt  }
0x86: {  	_ =	shalt  }
0x87: {  	_ =	shalt  }
.Lfunc_end0:
.L_simem_size_0:
called_computation_lowered:
.L_overlay_start_0:
0x88: {  	s2 =	sld [smem:$0x3FD9]  }
0x89: {  	s3 =	sld [smem:$0x3FFE];
	_ =	sdelay $0x1  }
0x8a: {  	s1 =	srdreg.scid  }
0x8b: {  	s0 =	sand.u32 $0x1, s1  }
0x8c: {  	s14 =	sshll.u32 s0, $0xA;
	s2 =	sadd.s32 s3, s2  }
0x8d: {  	s2 =	sadd.s32 s2, s14  }
0x8e: {  	[smem:$0x3FC5] =	sst s2  }
0x8f: {  	_ = 	snop  }
0x90: {  	s2 =	sld [smem:$0x3FD0];
	_ =	sdelay $0x2  }
0x91: {  	s4 =	simm.s32 $0xA;
	s5 =	simm.s32 $0x10;
	s15 =	sld [smem:$0x3FC7]  }
0x92: {  	[smem:s5], [sflag:s4] =	dma.local [hbm:s2], $0x1  }
0x93: {  	_ =	swait.eq [sflag:s4], $0x1  }
0x94: {  	[sflag:s4] =	ssyncset.done $0x0  }
0x95: {  	[sflag:s4] =	ssyncadd.s32 $0xFFFFFFFF  }
0x96: {  	s16 =	sld [smem:$0x10];
	(tm) =	ssettm $0x1  }
0x97: {  	s17 =	sld [smem:$0x3FFB];
	_ =	sdelay $0x3  }
0x98: {  	_ =	strace s17  }
0x99: {  	s4 =	sld [smem:$0x3FFC];
	_ =	sdelay $0x3  }
0x9a: {  	_ =	strace s4  }
0x9b: {  	s4 =	sld [smem:$0x3FFD];
	_ =	sdelay $0x3  }
0x9c: {  	_ =	strace s4  }
0x9d: {  	_ =	strace $0x8FFFFFFF  }
0x9e: {  	s18 =	sld [smem:$0x3FDB];
	_ =	sdelay $0x1  }
0x9f: {  	s19 =	simm.s32 $_scs_section_size  }
0xa0: {  	s6 =	simm.s32 $_size__tile_overlayer_lowered;
	s7 =	simm.s32 $_tile_overlayer_lowered  }
0xa1: {  	s22 =	simm.s32 $0x1BFF;
	s21 =	sshll.u32 s7, $0x1;
	s4 =	sadd.s32 s19, s18  }
0xa2: {  	s8 =	simm.s32 $0x0;
	s20 =	sshll.u32 s6, $0x1;
	s6 =	sadd.s32 s21, s4  }
0xa3: {  	[timem:s8], [sflag:s22] =	dma.local [hbm:s6], s20  }
0xa4: {  	_ =	swait.ge [sflag:s22], s20  }
0xa5: {  	s5 =	ssub.s32 $0x0, s20;
	[sflag:s22] =	ssyncset.done $0x0  }
0xa6: {  	[sflag:s22] =	ssyncadd.s32 s5;
	_ =	sdelay $0x1  }
0xa7: {  	s23 =	simm.s32 $0x1B8B  }
0xa8: {  	_ =	swait.ge [sflag:s23], $0x1  }
0xa9: {  	[sflag:s23] =	ssyncset.done $0x0  }
0xaa: {  	s25 =	simm.s32 $0x1B8E;
	s24 =	sld [smem:$0x3FFE];
	[sflag:s23] =	ssyncadd.s32 $0xFFFFFFFF  }
0xab: {  	s26 =	simm.s32 $execute0_lowered;
	[smem:$0x3FD2] =	sst s25  }
0xac: {  	s6 =	sshll.u32 s26, $0x1;
	_ =	strace $0x80000046;
	[dreg:$0x1] =	wrdreg $0xFFFFFFFF  }
0xad: {  	s28 =	simm.s32 $_size_execute0_lowered;
	s4 =	sadd.s32 s4, s6;
	[dreg:$0x0] =	wrdreg $0x0  }
0xae: {  	s6 =	sshll.u32 s28, $0x1;
	[dreg:$0x2] =	wrdreg s4  }
0xaf: {  	[dreg:$0x3] =	wrdreg s6  }
0xb0: {  	[dreg:$0x4] =	wrdreg $0xC0  }
0xb1: {  	_ =	task [dreg:s8], $0x5FFFF  }
0xb2: {  	[dreg:$0x1] =	wrdreg $0xFFFFFFFF  }
0xb3: {  	[dreg:$0x0] =	wrdreg $0x60  }
0xb4: {  	[dreg:$0x2] =	wrdreg s24  }
0xb5: {  	[dreg:$0x3] =	wrdreg s15  }
0xb6: {  	[dreg:$0x4] =	wrdreg s16  }
0xb7: {  	[dreg:$0x5] =	wrdreg $0x9  }
0xb8: {  	_ =	task.clear_ibuf [dreg:s8], $0x6FFFF;
	_ =	strace $0x90000046  }
0xb9: {  	s29 =	simm.s32 $0x9;
	_ =	strace $0x80000048  }
0xba: {  	_ =	swait.ge [sflag:s29], $0x1  }
0xbb: {  	[sflag:s29] =	ssyncadd.s32 $0xFFFFFFFF  }
0xbc: {  	_ =	strace $0x90000048  }
0xbd: {  	_ =	sfence  }
0xbe: {  	s30 =	sld [smem:$0x0];
	_ =	sdelay $0x2  }
0xbf: {  	s31 =	sshll.u32 s1, $0xD;
	s1 =	sshrl.u32 s1, $0x2  }
0xc0: {  	s3 =	sand.u32 $0x4000, s31;
	s1 =	sadd.s32 s1, s30  }
0xc1: {  	s0 =	sor.u32 s3, s0;
	s1 =	sshll.u32 s1, $0x11  }
0xc2: {  	s0 =	sor.u32 s1, s0  }
0xc3: {  	s0 =	sadd.s32 $0x8F2B, s0  }
0xc4: {  	[sflag:s0] =	ssyncadd.remote.s32 $0x1  }
0xc5: {  	_ =	sfence.sel $0xFFFF  }
0xc6: {  	[dreg:$0x0] =	wrdreg $0xFFFFFFFF;
	(pc) =	sbr.abs _section_cstart, $3  }
0xc7: {  	[dreg:$0x1] =	wrdreg $0xFFFFFFFF  }
0xc8: {  	_ =	task.clear_ibuf [dreg:s8], $0x2FFFF;
	_ =	strace $0x9FFFFFFF  }
0xc9: {  	(tm) =	ssettm $0x7FFFFFFF  }
tec
execute0_lowered:
.L_overlay_start_1:
0x0: {  	(tag) =	ssettag $0x1  }
0x1: {  	s0 =	rddreg [dreg:$0x0]  }
0x2: {  	s29 =	rddreg [dreg:$0x1]  }
0x3: {  	s6 =	rddreg [dreg:$0x2]  }
0x4: {  	s4 =	simm.s32 $0x0;
	s1 =	srdreg.scid;
	s2 =	stileid.u32  }
0x5: {  	[smem:$0x7FF] =	sst s4;
	s1 =	sand.u32 $0x1, s1;
	s2 =	sshll.u32 s2, $0x1  }
0x6: {  	s30 =	sadd.s32 $0x200, s29;
	s9 =	sadd.s32 $0x400, s29;
	s10 =	sadd.s32 $0x600, s29  }
0x7: {  	s11 =	sadd.s32 $0x800, s29;
	s12 =	sadd.s32 $0xA00, s29;
	s13 =	sadd.s32 $0xC00, s29  }
0x8: {  	s14 =	sadd.s32 $0xE00, s29;
	s15 =	sadd.s32 $0x1000, s29;
	s16 =	sadd.s32 $0x1200, s29  }
0x9: {  	s17 =	sadd.s32 $0x1400, s29;
	s18 =	sadd.s32 $0x1600, s29;
	s19 =	sadd.s32 $0x1800, s29  }
0xa: {  	s20 =	sadd.s32 $0x1A00, s29;
	s21 =	sadd.s32 $0x1C00, s29;
	s31 =	sadd.s32 $0x40, s6  }
0xb: {  	_ =	strace $0x80000047;
	s2 =	sor.u32 s1, s2;
	[dreg:$0xb] =	wrdreg s31  }
0xc: {  	s1 =	ssub.s32 $0x2, s1;
	[dreg:$0x7] =	wrdreg s30;
	s3 =	sshll.u32 s2, $0xA  }
0xd: {  	s5 =	sshll.u32 s2, $0x9;
	s2 =	sshll.u32 s2, $0x12;
	s3 =	sadd.s32 s3, s0  }
0xe: {  	s0 =	sadd.s32 s5, s0;
	[dreg:$0x4] =	wrdreg s2;
	s24 =	sadd.s32 $0xC00, s3  }
.Ltmp0:
0xf: {  	s25 =	sadd.s32 $0x8C00, s3;
	[dreg:$0x5] =	wrdreg s24;
	(pc) =	sbr.rel .LBB2_1-.Ltmp0, $4  }
0x10: {  	s23 =	sshrl.u32 s1, $0x1;
	s26 =	sadd.s32 $0x14C00, s0;
	[dreg:$0x6] =	wrdreg s25  }
0x11: {  	v0 =	vlaneseq.u32;
	s1 =	ssub.s32 s1, s23;
	s0 =	sadd.s32 $0x10C00, s0;
	[dreg:$0x8] =	wrdreg s26  }
0x12: {  	s22 =	sadd.s32 $0x1E00, s29;
	v2 =	vshrl.u32 v0, $0x2;
	s28 =	smax.u32 s1, $0x1;
	[dreg:$0x9] =	wrdreg s0  }
0x13: {  	vm0 =	vmmov $0xffff;
	v1 =	vand.u32 $0x3, v0;
	v2 =	vmul.u32 $0x8, v2;
	s2 =	simm.s32 $0x0;
	s1 =	simm.s32 $0x5;
	[dreg:$0xa] =	wrdreg s28  }
.LBB2_8:
0x14: {  	s0 =	rddreg [dreg:$0x8];
	s1 =	simm.s32 $0x15000  }
0x15: {  	[hbm4b:s0+s4] =	stream.linear.scatter [tilespmem:s1], [sflag:$0x5], $0x1000, $0x38;
	[tilespmem:$0x16000] =	vst v63  }
0x16: {  	s1 =	simm.s32 $0x5  }
0x17: {  	_ =	swait.ge [sflag:s1], $0x1000  }
0x18: {  	[sflag:s1] =	ssyncset.done $0x0  }
0x19: {  	s2 =	simm.s32 $0x14000;
	s26 =	rddreg [dreg:$0x9];
	[sflag:s1] =	ssyncadd.s32 $0xFFFFF000  }
0x1a: {  	[hbm4b:s26+s4] =	stream.linear.scatter [tilespmem:s2], [sflag:$0x5], $0x1000, $0x38;
	[tilespmem:$0x16000] =	vst v63  }
0x1b: {  	_ =	swait.ge [sflag:s1], $0x1000  }
0x1c: {  	s28 =	rddreg [dreg:$0xc]  }
0x1d: {  	s31 =	rddreg [dreg:$0xa];
	s2 =	sadd.s32 $0x1, s28  }
0x1e: {  	p0 =	sne.s32 s2, s31  }
.Ltmp1:
0x1f: {  	_ = 	snop;
	(pc) =	sbr.rel @!p0 .LBB2_9-.Ltmp1, $3  }
0x20: {  	_ =	sdelay $0x1  }
0x21: {  	[sflag:s1] =	ssyncset.done $0x0  }
0x22: {  	[sflag:s1] =	ssyncadd.s32 $0xFFFFF000  }
.LBB2_1:
0x23: {  	[dreg:$0xc] =	wrdreg s2  }
0x24: {  	s0 =	rddreg [dreg:$0x5]  }
0x25: {  	[tilespmem:s4], [sflag:$0x5] =	stream.linear.gather [hbm4b:s0+s4], $0x2000, $0x38;
	[tilespmem:$0x16000] =	vst v63  }
0x26: {  	_ =	swait.ge [sflag:s1], $0x2000  }
0x27: {  	[sflag:s1] =	ssyncset.done $0x0  }
0x28: {  	s8 =	simm.s32 $0x2000;
	s7 =	rddreg [dreg:$0x6];
	[sflag:s1] =	ssyncadd.s32 $0xFFFFE000  }
0x29: {  	[tilespmem:s8], [sflag:$0x5] =	stream.linear.gather [hbm4b:s7+s4], $0x2000, $0x38;
	[tilespmem:$0x16000] =	vst v63  }
0x2a: {  	_ =	swait.ge [sflag:s1], $0x2000  }
0x2b: {  	[sflag:s1] =	ssyncset.done $0x0  }
0x2c: {  	[sflag:s1] =	ssyncadd.s32 $0xFFFFE000  }
0x2d: {  	v3 =	vld.msk [tilespmem:$0x0], $0xf;
	_ =	sdelay $0x4  }
0x2e: {  	v4 =	vshll.u32 v3, $0x6  }
0x2f: {  	v3 =	vand.u32 $0x7, v3;
	v4 =	vand.u32 $0xFFFFFE00, v4  }
0x30: {  	v3 =	vor.u32 v3, v4  }
0x31: {  	v3 =	vperm.xlane v3, v1;
	_ =	sdelay $0x1  }
0x32: {  	v3 =	vadd.s32 v2, v3;
	_ =	sdelay $0x3  }
0x33: {  	s23 =	simm.s32 $0x4000  }
0x34: {  	[tilespmem:s23], [sflag:$0x1] =	stream.indirect_vreg.gather [hbm4b:s29+s4], $0x80, v3, vm0, $0xb8;
	[tilespmem:$0x16000] =	vst v63  }
0x35: {  	s24 =	simm.s32 $0x4800  }
0x36: {  	[tilespmem:s24], [sflag:$0x1] =	stream.indirect_vreg.gather [hbm4b:s30+s4], $0x80, v3, vm0, $0xb8;
	[tilespmem:$0x16000] =	vst v63  }
0x37: {  	s25 =	simm.s32 $0x5000  }
0x38: {  	[tilespmem:s25], [sflag:$0x1] =	stream.indirect_vreg.gather [hbm4b:s9+s4], $0x80, v3, vm0, $0xb8;
	[tilespmem:$0x16000] =	vst v63  }
0x39: {  	s26 =	simm.s32 $0x5800  }
0x3a: {  	[tilespmem:s26], [sflag:$0x1] =	stream.indirect_vreg.gather [hbm4b:s10+s4], $0x80, v3, vm0, $0xb8;
	[tilespmem:$0x16000] =	vst v63  }
0x3b: {  	s28 =	simm.s32 $0x6000  }
0x3c: {  	[tilespmem:s28], [sflag:$0x1] =	stream.indirect_vreg.gather [hbm4b:s11+s4], $0x80, v3, vm0, $0xb8;
	[tilespmem:$0x16000] =	vst v63  }
0x3d: {  	s1 =	simm.s32 $0x6800  }
0x3e: {  	[tilespmem:s1], [sflag:$0x1] =	stream.indirect_vreg.gather [hbm4b:s12+s4], $0x80, v3, vm0, $0xb8;
	[tilespmem:$0x16000] =	vst v63  }
0x3f: {  	s2 =	simm.s32 $0x7000  }
0x40: {  	[tilespmem:s2], [sflag:$0x1] =	stream.indirect_vreg.gather [hbm4b:s13+s4], $0x80, v3, vm0, $0xb8;
	[tilespmem:$0x16000] =	vst v63  }
0x41: {  	s3 =	simm.s32 $0x7800  }
0x42: {  	[tilespmem:s3], [sflag:$0x1] =	stream.indirect_vreg.gather [hbm4b:s14+s4], $0x80, v3, vm0, $0xb8;
	[tilespmem:$0x16000] =	vst v63  }
0x43: {  	s5 =	simm.s32 $0x8000  }
0x44: {  	[tilespmem:s5], [sflag:$0x1] =	stream.indirect_vreg.gather [hbm4b:s15+s4], $0x80, v3, vm0, $0xb8;
	[tilespmem:$0x16000] =	vst v63  }
0x45: {  	s6 =	simm.s32 $0x8800  }
0x46: {  	[tilespmem:s6], [sflag:$0x1] =	stream.indirect_vreg.gather [hbm4b:s16+s4], $0x80, v3, vm0, $0xb8;
	[tilespmem:$0x16000] =	vst v63  }
0x47: {  	s7 =	simm.s32 $0x9000  }
0x48: {  	[tilespmem:s7], [sflag:$0x1] =	stream.indirect_vreg.gather [hbm4b:s17+s4], $0x80, v3, vm0, $0xb8;
	[tilespmem:$0x16000] =	vst v63  }
0x49: {  	s8 =	simm.s32 $0x9800  }
0x4a: {  	[tilespmem:s8], [sflag:$0x1] =	stream.indirect_vreg.gather [hbm4b:s18+s4], $0x80, v3, vm0, $0xb8;
	[tilespmem:$0x16000] =	vst v63  }
0x4b: {  	s23 =	simm.s32 $0xA000  }
0x4c: {  	[tilespmem:s23], [sflag:$0x1] =	stream.indirect_vreg.gather [hbm4b:s19+s4], $0x80, v3, vm0, $0xb8;
	[tilespmem:$0x16000] =	vst v63  }
0x4d: {  	s24 =	simm.s32 $0xA800  }
0x4e: {  	[tilespmem:s24], [sflag:$0x1] =	stream.indirect_vreg.gather [hbm4b:s20+s4], $0x80, v3, vm0, $0xb8;
	[tilespmem:$0x16000] =	vst v63  }
0x4f: {  	s25 =	simm.s32 $0xB000  }
0x50: {  	[tilespmem:s25], [sflag:$0x1] =	stream.indirect_vreg.gather [hbm4b:s21+s4], $0x80, v3, vm0, $0xb8;
	[tilespmem:$0x16000] =	vst v63  }
0x51: {  	s26 =	simm.s32 $0xB800  }
0x52: {  	[tilespmem:s26], [sflag:$0x1] =	stream.indirect_vreg.gather [hbm4b:s22+s4], $0x80, v3, vm0, $0xb8;
	[tilespmem:$0x16000] =	vst v63  }
0x53: {  	v3 =	vld.msk [tilespmem:$0x80], $0xf;
	_ =	sdelay $0x4  }
0x54: {  	v63 =	vshll.u32 v3, $0x6  }
0x55: {  	v3 =	vand.u32 $0x7, v3;
	v4 =	vand.u32 $0xFFFFFE00, v63  }
0x56: {  	v3 =	vor.u32 v3, v4  }
0x57: {  	v3 =	vperm.xlane v3, v1;
	_ =	sdelay $0x1  }
0x58: {  	v3 =	vadd.s32 v2, v3;
	_ =	sdelay $0x3  }
0x59: {  	s28 =	simm.s32 $0xC000  }
0x5a: {  	[tilespmem:s28], [sflag:$0x2] =	stream.indirect_vreg.gather [hbm4b:s29+s4], $0x80, v3, vm0, $0xb8;
	[tilespmem:$0x16000] =	vst v63  }
0x5b: {  	s29 =	simm.s32 $0xC800  }
0x5c: {  	[tilespmem:s29], [sflag:$0x2] =	stream.indirect_vreg.gather [hbm4b:s30+s4], $0x80, v3, vm0, $0xb8;
	[tilespmem:$0x16000] =	vst v63  }
0x5d: {  	s1 =	simm.s32 $0xD000  }
0x5e: {  	[tilespmem:s1], [sflag:$0x2] =	stream.indirect_vreg.gather [hbm4b:s9+s4], $0x80, v3, vm0, $0xb8;
	[tilespmem:$0x16000] =	vst v63  }
0x5f: {  	s2 =	simm.s32 $0xD800  }
0x60: {  	[tilespmem:s2], [sflag:$0x2] =	stream.indirect_vreg.gather [hbm4b:s10+s4], $0x80, v3, vm0, $0xb8;
	[tilespmem:$0x16000] =	vst v63  }
0x61: {  	s3 =	simm.s32 $0xE000  }
0x62: {  	[tilespmem:s3], [sflag:$0x2] =	stream.indirect_vreg.gather [hbm4b:s11+s4], $0x80, v3, vm0, $0xb8;
	[tilespmem:$0x16000] =	vst v63  }
0x63: {  	s5 =	simm.s32 $0xE800  }
0x64: {  	[tilespmem:s5], [sflag:$0x2] =	stream.indirect_vreg.gather [hbm4b:s12+s4], $0x80, v3, vm0, $0xb8;
	[tilespmem:$0x16000] =	vst v63  }
0x65: {  	s6 =	simm.s32 $0xF000  }
0x66: {  	[tilespmem:s6], [sflag:$0x2] =	stream.indirect_vreg.gather [hbm4b:s13+s4], $0x80, v3, vm0, $0xb8;
	[tilespmem:$0x16000] =	vst v63  }
0x67: {  	s7 =	simm.s32 $0xF800  }
0x68: {  	[tilespmem:s7], [sflag:$0x2] =	stream.indirect_vreg.gather [hbm4b:s14+s4], $0x80, v3, vm0, $0xb8;
	[tilespmem:$0x16000] =	vst v63  }
0x69: {  	s8 =	simm.s32 $0x10000  }
0x6a: {  	[tilespmem:s8], [sflag:$0x2] =	stream.indirect_vreg.gather [hbm4b:s15+s4], $0x80, v3, vm0, $0xb8;
	[tilespmem:$0x16000] =	vst v63  }
0x6b: {  	s23 =	simm.s32 $0x10800  }
0x6c: {  	[tilespmem:s23], [sflag:$0x2] =	stream.indirect_vreg.gather [hbm4b:s16+s4], $0x80, v3, vm0, $0xb8;
	[tilespmem:$0x16000] =	vst v63  }
0x6d: {  	s24 =	simm.s32 $0x11000  }
0x6e: {  	[tilespmem:s24], [sflag:$0x2] =	stream.indirect_vreg.gather [hbm4b:s17+s4], $0x80, v3, vm0, $0xb8;
	[tilespmem:$0x16000] =	vst v63  }
0x6f: {  	s25 =	simm.s32 $0x11800  }
0x70: {  	[tilespmem:s25], [sflag:$0x2] =	stream.indirect_vreg.gather [hbm4b:s18+s4], $0x80, v3, vm0, $0xb8;
	[tilespmem:$0x16000] =	vst v63  }
0x71: {  	s26 =	simm.s32 $0x12000  }
0x72: {  	[tilespmem:s26], [sflag:$0x2] =	stream.indirect_vreg.gather [hbm4b:s19+s4], $0x80, v3, vm0, $0xb8;
	[tilespmem:$0x16000] =	vst v63  }
0x73: {  	s28 =	simm.s32 $0x12800  }
0x74: {  	[tilespmem:s28], [sflag:$0x2] =	stream.indirect_vreg.gather [hbm4b:s20+s4], $0x80, v3, vm0, $0xb8;
	[tilespmem:$0x16000] =	vst v63  }
0x75: {  	s29 =	simm.s32 $0x13000  }
0x76: {  	[tilespmem:s29], [sflag:$0x2] =	stream.indirect_vreg.gather [hbm4b:s21+s4], $0x80, v3, vm0, $0xb8;
	[tilespmem:$0x16000] =	vst v63  }
0x77: {  	s31 =	simm.s32 $0x0;
	s30 =	simm.s32 $0x13800  }
0x78: {  	[tilespmem:s30], [sflag:$0x2] =	stream.indirect_vreg.gather [hbm4b:s22+s4], $0x80, v3, vm0, $0xb8;
	[tilespmem:$0x16000] =	vst v63  }
.LBB2_2:
0x79: {  	s2 =	simm.s32 $0x1  }
0x7a: {  	_ =	swait.ge [sflag:s2], $0x8000  }
0x7b: {  	s0 =	sshll.u32 s31, $0xD;
	[sflag:s2] =	ssyncset.done $0x0  }
0x7c: {  	s7 =	sshll.u32 s31, $0xA;
	s1 =	rddreg [dreg:$0x4];
	[sflag:s2] =	ssyncadd.s32 $0xFFFF8000  }
0x7d: {  	s5 =	simm.s32 $0x200;
	s6 =	sadd.s32 s1, s0;
	s1 =	rddreg [dreg:$0x2]  }
0x7e: {  	s3 =	simm.s32 $0x400;
	s2 =	simm.s32 $0x4000;
	s0 =	sadd.s32 s1, s6  }
0x7f: {  	[hbm4b:s0+s5] =	stream.strided.scatter [tilespmem:s2], [sflag:$0x3], $0x8000, s3, s5, $0x38;
	[tilespmem:$0x16000] =	vst v63  }
0x80: {  	s0 =	sshrl.u32 s7, $0x2  }
0x81: {  	v3 =	vld [tilespmem:s0+$0x2000];
	_ =	sdelay $0x4  }
0x82: {  	(v2sf) =	vpush v3, $0x0;
	_ =	sdelay $0x6  }
0x83: {  	(v2sf) =	vpush v3, $0x1;
	_ =	sdelay $0x6  }
0x84: {  	(v2sf) =	vpush v3, $0x2  }
0x85: {  	s8 =	spop (v2sf)  }
0x86: {  	s23 =	sshll.u32 s8, $0x2  }
0x87: {  	s24 =	sand.u32 $0x70, s8;
	s2 =	sand.u32 $0xFFFFFE00, s23  }
0x88: {  	s2 =	sor.u32 s24, s2  }
0x89: {  	v4 =	vld [tilespmem:s2+$0x4000];
	_ =	sdelay $0x1  }
0x8a: {  	(v2sf) =	vpush v3, $0x3;
	s1 =	sand.u32 $0xF, s8  }
0x8b: {  	s25 =	spop (v2sf);
	v3 =	vmov s1  }
0x8c: {  	s26 =	sshll.u32 s25, $0x2;
	vm1 =	veq.s32 v3, v0  }
0x8d: {  	s5 =	sand.u32 $0x70, s25;
	s1 =	sand.u32 $0xFFFFFE00, s26;
	s2 =	sshll.u32 s31, $0x7;
	v3 =	vnsel vm1, $0x0, v4  }
0x8e: {  	s1 =	sor.u32 s5, s1;
	[tilespmem:s2+$0x15000] =	vst v3  }
0x8f: {  	v3 =	vld [tilespmem:s1+$0x4080];
	_ =	sdelay $0x1  }
0x90: {  	s5 =	sand.u32 $0xF, s25  }
0x91: {  	s8 =	spop (v2sf);
	v4 =	vmov s5  }
0x92: {  	s23 =	sshll.u32 s8, $0x2;
	vm1 =	veq.s32 v4, v0  }
0x93: {  	s24 =	sand.u32 $0x70, s8;
	s1 =	sand.u32 $0xFFFFFE00, s23;
	v3 =	vnsel vm1, $0x0, v3  }
0x94: {  	s1 =	sor.u32 s24, s1;
	[tilespmem:s2+$0x15010] =	vst v3  }
0x95: {  	v3 =	vld [tilespmem:s1+$0x4100];
	_ =	sdelay $0x1  }
0x96: {  	s25 =	sand.u32 $0xF, s8  }
0x97: {  	v4 =	vmov s25;
	s26 =	spop (v2sf)  }
0x98: {  	vm1 =	veq.s32 v4, v0;
	s8 =	sshll.u32 s26, $0x2  }
0x99: {  	s23 =	sand.u32 $0x70, s26;
	s3 =	sand.u32 $0xFFFFFE00, s8;
	v3 =	vnsel vm1, $0x0, v3  }
0x9a: {  	s3 =	sor.u32 s23, s3;
	[tilespmem:s2+$0x15020] =	vst v3  }
0x9b: {  	v3 =	vld [tilespmem:s3+$0x4180];
	_ =	sdelay $0x1  }
0x9c: {  	s1 =	sand.u32 $0xF, s26  }
0x9d: {  	s24 =	simm.s32 $0x0;
	v4 =	vmov s1  }
0x9e: {  	s25 =	sand.u32 $0x3, s24;
	vm1 =	veq.s32 v4, v0  }
0x9f: {  	s26 =	sand.u32 $0x60, s24;
	s1 =	sand.u32 $0x7E00, s24;
	s3 =	sshll.u32 s25, $0x5;
	v3 =	vnsel vm1, $0x0, v3  }
0xa0: {  	s1 =	sor.u32 s26, s1;
	s3 =	sadd.s32 $0x0, s3;
	[tilespmem:s2+$0x15030] =	vst v3  }
0xa1: {  	s8 =	sor.u32 $0x180, s3;
	s3 =	sadd.s32 $0x10, s3;
	v3 =	vld [tilespmem:s1+$0x4110]  }
0xa2: {  	s3 =	sor.u32 $0x180, s3;
	v4 =	vld [tilespmem:s8+$0x4000]  }
0xa3: {  	v5 =	vld [tilespmem:s3+$0x4000]  }
0xa4: {  	v6 =	vld [tilespmem:s1+$0x4100]  }
0xa5: {  	s23 =	simm.s32 $0x1;
	v7 =	vld [tilespmem:s1+$0x4000]  }
0xa6: {  	s24 =	simm.s32 $0x80;
	s3 =	sand.u32 $0x3, s23;
	v8 =	vld [tilespmem:s1+$0x4080];
	s23 =	simm.s32 $0x20;
	v3 =	vmul.f32 $1.442695020e+00, v3  }
0xa7: {  	s5 =	sand.u32 $0x7E00, s24;
	v9 =	vld [tilespmem:s1+$0x4010];
	s3 =	sshll.u32 s3, $0x5;
	s23 =	sand.u32 $0x60, s23;
	v4 =	vmul.f32 $1.442695020e+00, v4  }
0xa8: {  	v10 =	vld [tilespmem:s1+$0x4090];
	s3 =	sadd.s32 $0x80, s3;
	s24 =	sor.u32 s23, s5;
	v5 =	vmul.f32 $1.442695020e+00, v5;
	(erf) = vpow2.f32 v3  }
0xa9: {  	s25 =	sor.u32 $0x180, s3;
	(erf) = vpow2.f32 v4;
	v4 =	vld [tilespmem:s24+$0x4110]  }
0xaa: {  	s3 =	sadd.s32 $0x10, s3;
	v3 =	vmul.f32 $1.442695020e+00, v6;
	(erf) = vpow2.f32 v5;
	v5 =	vld [tilespmem:s25+$0x4000]  }
0xab: {  	s3 =	sor.u32 $0x180, s3;
	v8 =	vmul.f32 $1.442695020e+00, v8;
	v6 =	vmul.f32 $1.442695020e+00, v7  }
0xac: {  	v7 =	vld [tilespmem:s3+$0x4000];
	(erf) = vpow2.f32 v3;
	v3 =	vmul.f32 $1.442695020e+00, v9  }
0xad: {  	v9 =	vmul.f32 $1.442695020e+00, v10;
	(erf) = vpow2.f32 v6  }
0xae: {  	v11 =	vld [tilespmem:s24+$0x4100];
	(erf) = vpow2.f32 v8;
	v4 =	vmul.f32 $1.442695020e+00, v4  }
0xaf: {  	s29 =	simm.s32 $0x2;
	(erf) = vpow2.f32 v3;
	v5 =	vmul.f32 $1.442695020e+00, v5  }
0xb0: {  	s26 =	sand.u32 $0x3, s29;
	s1 =	sor.u32 $0x20, s2;
	s5 =	sor.u32 $0x10, s2;
	v6 =	vld [tilespmem:s24+$0x4000];
	(erf) = vpow2.f32 v9  }
0xb1: {  	s23 =	simm.s32 $0x40;
	s3 =	sshll.u32 s26, $0x5;
	s25 =	simm.s32 $0x100;
	v8 =	vld [tilespmem:s24+$0x4080];
	v7 =	vmul.f32 $1.442695020e+00, v7;
	(erf) = vpow2.f32 v4  }
0xb2: {  	s28 =	sand.u32 $0x60, s23;
	s3 =	sadd.s32 $0x100, s3;
	s30 =	sand.u32 $0x7E00, s25;
	v9 =	vld [tilespmem:s24+$0x4010];
	v3 =	vpop (erf);
	(erf) = vpow2.f32 v5  }
0xb3: {  	v12 =	vld [tilespmem:s24+$0x4090];
	s26 =	sor.u32 $0x30, s2;
	v14 =	vmul.f32 $1.442695020e+00, v11;
	s8 =	sadd.s32 $0x10, s3;
	s24 =	sor.u32 s28, s30;
	v4 =	vimm.f32 $0.0e+00;
	v5 =	vpop (erf);
	(erf) = vpow2.f32 v7  }
0xb4: {  	s30 =	simm.s32 $0x4;
	s28 =	sor.u32 $0x180, s3;
	s3 =	sor.u32 $0x180, s8;
	v13 =	vld [tilespmem:s24+$0x4110];
	v7 =	vimm.f32 $0.0e+00;
	v10 =	vadd.f32 v5, v4;
	v11 =	vpop (erf);
	v5 =	vimm.f32 $0.0e+00  }
.LBB2_3:
0xb5: {  	s30 =	sadd.s32 $0x2, s30;
	v15 =	vld [tilespmem:s28+$0x4000];
	v6 =	vmul.f32 $1.442695020e+00, v6  }
0xb6: {  	v8 =	vmul.f32 $1.442695020e+00, v8;
	p0 =	slt.u32 s30, $0x1FE;
	v16 =	vld [tilespmem:s3+$0x4000];
	(erf) = vpow2.f32 v14;
	v10 =	vadd.f32 v11, v10;
	v11 =	vpop (erf)  }
0xb7: {  	v9 =	vmul.f32 $1.442695020e+00, v9;
	v14 =	vld [tilespmem:s24+$0x4100];
	(erf) = vpow2.f32 v6;
	v4 =	vadd.f32 v11, v4;
	v11 =	vpop (erf)  }
0xb8: {  	s29 =	sadd.s32 $0x1, s29;
	v12 =	vmul.f32 $1.442695020e+00, v12;
	v6 =	vld [tilespmem:s24+$0x4000];
	(erf) = vpow2.f32 v8;
	v7 =	vadd.f32 v11, v7;
	v11 =	vpop (erf)  }
.Ltmp2:
0xb9: {  	s3 =	sand.u32 $0x3, s29;
	v8 =	vld [tilespmem:s24+$0x4080];
	v13 =	vmul.f32 $1.442695020e+00, v13;
	(erf) = vpow2.f32 v9;
	v4 =	vadd.f32 v3, v4;
	v17 =	vpop (erf);
	(pc) =	sbr.rel @p0 .LBB2_3-.Ltmp2, $4  }
0xba: {  	s25 =	sadd.s32 $0x80, s25;
	s23 =	sadd.s32 $0x20, s23;
	s3 =	sshll.u32 s3, $0x5;
	v5 =	vadd.f32 v11, v5;
	v18 =	vmul.f32 $1.442695020e+00, v15;
	v9 =	vld [tilespmem:s24+$0x4010];
	(erf) = vpow2.f32 v12;
	v11 =	vpop (erf)  }
0xbb: {  	s8 =	sand.u32 $0x60, s23;
	s28 =	sand.u32 $0x7E00, s25;
	s3 =	sadd.s32 s3, s25;
	v7 =	vadd.f32 v17, v7;
	v12 =	vld [tilespmem:s24+$0x4090];
	v16 =	vmul.f32 $1.442695020e+00, v16;
	(erf) = vpow2.f32 v13;
	v3 =	vpop (erf)  }
0xbc: {  	s24 =	sor.u32 s8, s28;
	s28 =	sor.u32 $0x180, s3;
	s3 =	sadd.s32 $0x10, s3;
	v5 =	vadd.f32 v11, v5;
	v14 =	vmul.f32 $1.442695020e+00, v14;
	(erf) = vpow2.f32 v18;
	v15 =	vpop (erf)  }
0xbd: {  	s3 =	sor.u32 $0x180, s3;
	v13 =	vld [tilespmem:s24+$0x4110];
	(erf) = vpow2.f32 v16;
	v10 =	vadd.f32 v15, v10;
	v11 =	vpop (erf)  }
0xbe: {  	v15 =	vld [tilespmem:s28+$0x4000];
	v6 =	vmul.f32 $1.442695020e+00, v6  }
0xbf: {  	v8 =	vmul.f32 $1.442695020e+00, v8  }
0xc0: {  	v16 =	vld [tilespmem:s3+$0x4000];
	(erf) = vpow2.f32 v14;
	v9 =	vmul.f32 $1.442695020e+00, v9  }
0xc1: {  	v17 =	vld [tilespmem:s24+$0x4100];
	v14 =	vpop (erf);
	(erf) = vpow2.f32 v6;
	v12 =	vmul.f32 $1.442695020e+00, v12  }
0xc2: {  	v18 =	vld [tilespmem:s24+$0x4000];
	v6 =	vpop (erf);
	(erf) = vpow2.f32 v8;
	v13 =	vmul.f32 $1.442695020e+00, v13  }
0xc3: {  	v19 =	vld [tilespmem:s24+$0x4080];
	v8 =	vpop (erf);
	(erf) = vpow2.f32 v9;
	v15 =	vmul.f32 $1.442695020e+00, v15  }
0xc4: {  	v20 =	vld [tilespmem:s24+$0x4010];
	v9 =	vpop (erf);
	(erf) = vpow2.f32 v12  }
0xc5: {  	v21 =	vld [tilespmem:s24+$0x4090];
	v16 =	vmul.f32 $1.442695020e+00, v16;
	v12 =	vpop (erf);
	(erf) = vpow2.f32 v13  }
0xc6: {  	v17 =	vmul.f32 $1.442695020e+00, v17;
	v13 =	vpop (erf);
	(erf) = vpow2.f32 v15  }
0xc7: {  	v59 =	vmul.f32 $1.442695020e+00, v18;
	v15 =	vpop (erf);
	(erf) = vpow2.f32 v16  }
0xc8: {  	v19 =	vmul.f32 $1.442695020e+00, v19;
	v60 =	vpop (erf);
	(erf) = vpow2.f32 v17  }
0xc9: {  	v20 =	vmul.f32 $1.442695020e+00, v20;
	v6 =	vadd.f32 v6, v7;
	v61 =	vpop (erf);
	(erf) = vpow2.f32 v59  }
0xca: {  	v63 =	vmul.f32 $1.442695020e+00, v21;
	v62 =	vpop (erf);
	(erf) = vpow2.f32 v19  }
0xcb: {  	v6 =	vadd.f32 v9, v6;
	v7 =	vpop (erf);
	(erf) = vpow2.f32 v20  }
0xcc: {  	v5 =	vadd.f32 v8, v5;
	v8 =	vpop (erf);
	(erf) = vpow2.f32 v63  }
0xcd: {  	v4 =	vadd.f32 v14, v4;
	v9 =	vpop (erf)  }
0xce: {  	v5 =	vadd.f32 v12, v5;
	v12 =	vpop (erf)  }
0xcf: {  	v3 =	vadd.f32 v3, v4;
	v4 =	vadd.f32 v62, v6;
	v6 =	vpop (erf)  }
0xd0: {  	v10 =	vadd.f32 v11, v10;
	v5 =	vadd.f32 v7, v5;
	v7 =	vpop (erf)  }
0xd1: {  	v3 =	vadd.f32 v61, v3;
	v4 =	vadd.f32 v8, v4;
	v8 =	vpop (erf)  }
0xd2: {  	v10 =	vadd.f32 v15, v10;
	v5 =	vadd.f32 v9, v5;
	v9 =	vpop (erf)  }
0xd3: {  	v3 =	vadd.f32 v13, v3;
	v4 =	vadd.f32 v9, v4;
	v9 =	vpop (erf)  }
0xd4: {  	v10 =	vadd.f32 v60, v10;
	v11 =	vpop (erf);
	v5 =	vadd.f32 v9, v5  }
0xd5: {  	v3 =	vadd.f32 v8, v3;
	v8 =	vpop (erf);
	v4 =	vadd.f32 v11, v4  }
0xd6: {  	v6 =	vadd.f32 v6, v10;
	v5 =	vadd.f32 v8, v5  }
0xd7: {  	v3 =	vadd.f32 v12, v3;
	[tilespmem:s2+$0x14000] =	vst v4  }
0xd8: {  	v4 =	vadd.f32 v7, v6;
	[tilespmem:s5+$0x14000] =	vst v5  }
0xd9: {  	[tilespmem:s1+$0x14000] =	vst v3  }
0xda: {  	s5 =	simm.s32 $0x3;
	[tilespmem:s26+$0x14000] =	vst v4  }
0xdb: {  	_ =	swait.ge [sflag:s5], $0x8000  }
0xdc: {  	p0 =	seq.s32 s31, $0x1F;
	[sflag:s5] =	ssyncset.done $0x0  }
0xdd: {  	s1 =	sshrl.u32 @!p0 s7, $0x2;
	[sflag:s5] =	ssyncadd.s32 $0xFFFF8000  }
0xde: {  	v3 =	vld.msk @!p0 [tilespmem:s1+$0x100], $0xf;
	_ =	sdelay $0x4  }
0xdf: {  	v4 =	vshll.u32 @!p0 v3, $0x6  }
0xe0: {  	v5 =	vlaneseq.u32 @!p0;
	v3 =	vand.u32 @!p0 $0x7, v3;
	v4 =	vand.u32 @!p0 $0xFFFFFE00, v4  }
0xe1: {  	v3 =	vor.u32 @!p0 v3, v4;
	v4 =	vand.u32 @!p0 $0x3, v5;
	v5 =	vshrl.u32 @!p0 v5, $0x2  }
0xe2: {  	v3 =	vperm.xlane @!p0 v3, v4;
	v4 =	vmul.u32 @!p0 $0x8, v5;
	_ =	sdelay $0x1  }
0xe3: {  	v3 =	vadd.s32 @!p0 v4, v3;
	_ =	sdelay $0x3  }
0xe4: {  	vm1 =	vmmov @!p0 $0xffff;
	s3 =	simm.s32 @!p0 $0x4000;
	s1 =	simm.s32 @!p0 $0x0;
	s29 =	rddreg [dreg:$0x1]  }
0xe5: {  	[tilespmem:s3], [sflag:$0x1] =	stream.indirect_vreg.gather @!p0 [hbm4b:s29+s1], $0x80, v3, vm1, $0xb8;
	[tilespmem:$0x16000] =	vst v63  }
0xe6: {  	s30 =	rddreg [dreg:$0x7];
	s3 =	simm.s32 @!p0 $0x4800  }
0xe7: {  	[tilespmem:s3], [sflag:$0x1] =	stream.indirect_vreg.gather @!p0 [hbm4b:s30+s1], $0x80, v3, vm1, $0xb8;
	[tilespmem:$0x16000] =	vst v63  }
0xe8: {  	s3 =	simm.s32 @!p0 $0x5000  }
0xe9: {  	[tilespmem:s3], [sflag:$0x1] =	stream.indirect_vreg.gather @!p0 [hbm4b:s9+s1], $0x80, v3, vm1, $0xb8;
	[tilespmem:$0x16000] =	vst v63  }
0xea: {  	s3 =	simm.s32 @!p0 $0x5800  }
0xeb: {  	[tilespmem:s3], [sflag:$0x1] =	stream.indirect_vreg.gather @!p0 [hbm4b:s10+s1], $0x80, v3, vm1, $0xb8;
	[tilespmem:$0x16000] =	vst v63  }
0xec: {  	s3 =	simm.s32 @!p0 $0x6000  }
0xed: {  	[tilespmem:s3], [sflag:$0x1] =	stream.indirect_vreg.gather @!p0 [hbm4b:s11+s1], $0x80, v3, vm1, $0xb8;
	[tilespmem:$0x16000] =	vst v63  }
0xee: {  	s3 =	simm.s32 @!p0 $0x6800  }
0xef: {  	[tilespmem:s3], [sflag:$0x1] =	stream.indirect_vreg.gather @!p0 [hbm4b:s12+s1], $0x80, v3, vm1, $0xb8;
	[tilespmem:$0x16000] =	vst v63  }
0xf0: {  	s3 =	simm.s32 @!p0 $0x7000  }
0xf1: {  	[tilespmem:s3], [sflag:$0x1] =	stream.indirect_vreg.gather @!p0 [hbm4b:s13+s1], $0x80, v3, vm1, $0xb8;
	[tilespmem:$0x16000] =	vst v63  }
0xf2: {  	s3 =	simm.s32 @!p0 $0x7800  }
0xf3: {  	[tilespmem:s3], [sflag:$0x1] =	stream.indirect_vreg.gather @!p0 [hbm4b:s14+s1], $0x80, v3, vm1, $0xb8;
	[tilespmem:$0x16000] =	vst v63  }
0xf4: {  	s3 =	simm.s32 @!p0 $0x8000  }
0xf5: {  	[tilespmem:s3], [sflag:$0x1] =	stream.indirect_vreg.gather @!p0 [hbm4b:s15+s1], $0x80, v3, vm1, $0xb8;
	[tilespmem:$0x16000] =	vst v63  }
0xf6: {  	s3 =	simm.s32 @!p0 $0x8800  }
0xf7: {  	[tilespmem:s3], [sflag:$0x1] =	stream.indirect_vreg.gather @!p0 [hbm4b:s16+s1], $0x80, v3, vm1, $0xb8;
	[tilespmem:$0x16000] =	vst v63  }
0xf8: {  	s3 =	simm.s32 @!p0 $0x9000  }
0xf9: {  	[tilespmem:s3], [sflag:$0x1] =	stream.indirect_vreg.gather @!p0 [hbm4b:s17+s1], $0x80, v3, vm1, $0xb8;
	[tilespmem:$0x16000] =	vst v63  }
0xfa: {  	s3 =	simm.s32 @!p0 $0x9800  }
0xfb: {  	[tilespmem:s3], [sflag:$0x1] =	stream.indirect_vreg.gather @!p0 [hbm4b:s18+s1], $0x80, v3, vm1, $0xb8;
	[tilespmem:$0x16000] =	vst v63  }
0xfc: {  	s3 =	simm.s32 @!p0 $0xA000  }
0xfd: {  	[tilespmem:s3], [sflag:$0x1] =	stream.indirect_vreg.gather @!p0 [hbm4b:s19+s1], $0x80, v3, vm1, $0xb8;
	[tilespmem:$0x16000] =	vst v63  }
0xfe: {  	s3 =	simm.s32 @!p0 $0xA800  }
0xff: {  	[tilespmem:s3], [sflag:$0x1] =	stream.indirect_vreg.gather @!p0 [hbm4b:s20+s1], $0x80, v3, vm1, $0xb8;
	[tilespmem:$0x16000] =	vst v63  }
0x100: {  	s3 =	simm.s32 @!p0 $0xB000  }
0x101: {  	[tilespmem:s3], [sflag:$0x1] =	stream.indirect_vreg.gather @!p0 [hbm4b:s21+s1], $0x80, v3, vm1, $0xb8;
	[tilespmem:$0x16000] =	vst v63  }
0x102: {  	s7 =	simm.s32 $0x2;
	s3 =	simm.s32 @!p0 $0xB800  }
0x103: {  	[tilespmem:s3], [sflag:$0x1] =	stream.indirect_vreg.gather @!p0 [hbm4b:s22+s1], $0x80, v3, vm1, $0xb8;
	[tilespmem:$0x16000] =	vst v63  }
0x104: {  	s23 =	simm.s32 $0xC000;
	_ =	swait.ge [sflag:s7], $0x8000  }
0x105: {  	s24 =	simm.s32 $0x200;
	[sflag:s7] =	ssyncset.done $0x0;
	s8 =	rddreg [dreg:$0xb]  }
0x106: {  	s25 =	simm.s32 $0x400;
	[sflag:s7] =	ssyncadd.s32 $0xFFFF8000;
	s1 =	sadd.s32 s6, s8  }
0x107: {  	[hbm4b:s1+s24] =	stream.strided.scatter [tilespmem:s23], [sflag:$0x4], $0x8000, s25, s24, $0x38;
	[tilespmem:$0x16000] =	vst v63  }
0x108: {  	v3 =	vld [tilespmem:s0+$0x2080];
	_ =	sdelay $0x4  }
0x109: {  	(v2sf) =	vpush v3, $0x0;
	_ =	sdelay $0x6  }
0x10a: {  	(v2sf) =	vpush v3, $0x1;
	_ =	sdelay $0x6  }
0x10b: {  	(v2sf) =	vpush v3, $0x2  }
0x10c: {  	s26 =	spop (v2sf)  }
0x10d: {  	s6 =	sshll.u32 s26, $0x2  }
0x10e: {  	s7 =	sand.u32 $0x70, s26;
	s3 =	sand.u32 $0xFFFFFE00, s6  }
0x10f: {  	s3 =	sor.u32 s7, s3  }
0x110: {  	v4 =	vld [tilespmem:s3+$0xC000];
	_ =	sdelay $0x1  }
0x111: {  	(v2sf) =	vpush v3, $0x3;
	s1 =	sand.u32 $0xF, s26  }
0x112: {  	s8 =	spop (v2sf);
	v3 =	vmov s1  }
0x113: {  	s23 =	sshll.u32 s8, $0x2;
	vm1 =	veq.s32 v3, v0  }
0x114: {  	s24 =	sand.u32 $0x70, s8;
	s1 =	sand.u32 $0xFFFFFE00, s23;
	v3 =	vnsel vm1, $0x0, v4  }
0x115: {  	s1 =	sor.u32 s24, s1;
	[tilespmem:s2+$0x15040] =	vst v3  }
0x116: {  	v3 =	vld [tilespmem:s1+$0xC080];
	_ =	sdelay $0x1  }
0x117: {  	s25 =	sand.u32 $0xF, s8  }
0x118: {  	s26 =	spop (v2sf);
	v4 =	vmov s25  }
0x119: {  	s6 =	sshll.u32 s26, $0x2;
	vm1 =	veq.s32 v4, v0  }
0x11a: {  	s7 =	sand.u32 $0x70, s26;
	s1 =	sand.u32 $0xFFFFFE00, s6;
	v3 =	vnsel vm1, $0x0, v3  }
0x11b: {  	s1 =	sor.u32 s7, s1;
	[tilespmem:s2+$0x15050] =	vst v3  }
0x11c: {  	v3 =	vld [tilespmem:s1+$0xC100];
	_ =	sdelay $0x1  }
0x11d: {  	s8 =	sand.u32 $0xF, s26  }
0x11e: {  	v4 =	vmov s8;
	s23 =	spop (v2sf)  }
0x11f: {  	vm1 =	veq.s32 v4, v0;
	s24 =	sshll.u32 s23, $0x2  }
0x120: {  	s25 =	sand.u32 $0x70, s23;
	s3 =	sand.u32 $0xFFFFFE00, s24;
	v3 =	vnsel vm1, $0x0, v3  }
0x121: {  	s3 =	sor.u32 s25, s3;
	[tilespmem:s2+$0x15060] =	vst v3  }
0x122: {  	v3 =	vld [tilespmem:s3+$0xC180];
	_ =	sdelay $0x1  }
0x123: {  	s1 =	sand.u32 $0xF, s23  }
0x124: {  	s26 =	simm.s32 $0x0;
	v4 =	vmov s1  }
0x125: {  	s5 =	sand.u32 $0x3, s26;
	vm1 =	veq.s32 v4, v0  }
0x126: {  	s6 =	sand.u32 $0x60, s26;
	s1 =	sand.u32 $0x7E00, s26;
	s3 =	sshll.u32 s5, $0x5;
	v3 =	vnsel vm1, $0x0, v3  }
0x127: {  	s1 =	sor.u32 s6, s1;
	s3 =	sadd.s32 $0x0, s3;
	[tilespmem:s2+$0x15070] =	vst v3  }
0x128: {  	s7 =	sor.u32 $0x180, s3;
	s3 =	sadd.s32 $0x10, s3;
	v3 =	vld [tilespmem:s1+$0xC110]  }
0x129: {  	s3 =	sor.u32 $0x180, s3;
	v4 =	vld [tilespmem:s7+$0xC000]  }
0x12a: {  	v5 =	vld [tilespmem:s3+$0xC000]  }
0x12b: {  	v6 =	vld [tilespmem:s1+$0xC100]  }
0x12c: {  	s8 =	simm.s32 $0x1;
	v7 =	vld [tilespmem:s1+$0xC000]  }
0x12d: {  	s24 =	simm.s32 $0x20;
	s23 =	simm.s32 $0x80;
	s3 =	sand.u32 $0x3, s8;
	v8 =	vld [tilespmem:s1+$0xC080];
	v3 =	vmul.f32 $1.442695020e+00, v3  }
0x12e: {  	s6 =	sand.u32 $0x60, s24;
	s5 =	sand.u32 $0x7E00, s23;
	v9 =	vld [tilespmem:s1+$0xC010];
	s3 =	sshll.u32 s3, $0x5;
	v4 =	vmul.f32 $1.442695020e+00, v4  }
0x12f: {  	v10 =	vld [tilespmem:s1+$0xC090];
	s8 =	sor.u32 s6, s5;
	s3 =	sadd.s32 $0x80, s3;
	v5 =	vmul.f32 $1.442695020e+00, v5;
	(erf) = vpow2.f32 v3  }
0x130: {  	s25 =	sor.u32 $0x180, s3;
	(erf) = vpow2.f32 v4;
	v4 =	vld [tilespmem:s8+$0xC110]  }
0x131: {  	s3 =	sadd.s32 $0x10, s3;
	v3 =	vmul.f32 $1.442695020e+00, v6;
	(erf) = vpow2.f32 v5;
	v5 =	vld [tilespmem:s25+$0xC000]  }
0x132: {  	s3 =	sor.u32 $0x180, s3;
	v8 =	vmul.f32 $1.442695020e+00, v8;
	v6 =	vmul.f32 $1.442695020e+00, v7  }
0x133: {  	v7 =	vld [tilespmem:s3+$0xC000];
	(erf) = vpow2.f32 v3;
	v3 =	vmul.f32 $1.442695020e+00, v9  }
0x134: {  	v9 =	vmul.f32 $1.442695020e+00, v10;
	(erf) = vpow2.f32 v6  }
0x135: {  	v11 =	vld [tilespmem:s8+$0xC100];
	(erf) = vpow2.f32 v8;
	v4 =	vmul.f32 $1.442695020e+00, v4  }
0x136: {  	s23 =	simm.s32 $0x40;
	s7 =	simm.s32 $0x2;
	(erf) = vpow2.f32 v3;
	v5 =	vmul.f32 $1.442695020e+00, v5  }
0x137: {  	s24 =	sand.u32 $0x60, s23;
	s6 =	sor.u32 $0x40, s2;
	s26 =	sand.u32 $0x3, s7;
	v6 =	vld [tilespmem:s8+$0xC000];
	(erf) = vpow2.f32 v9  }
0x138: {  	s1 =	sor.u32 $0x50, s2;
	s3 =	sshll.u32 s26, $0x5;
	s25 =	simm.s32 $0x100;
	v8 =	vld [tilespmem:s8+$0xC080];
	v7 =	vmul.f32 $1.442695020e+00, v7;
	(erf) = vpow2.f32 v4  }
0x139: {  	s5 =	sor.u32 $0x60, s2;
	s3 =	sadd.s32 $0x100, s3;
	s26 =	sand.u32 $0x7E00, s25;
	v9 =	vld [tilespmem:s8+$0xC010];
	v3 =	vpop (erf);
	(erf) = vpow2.f32 v5  }
0x13a: {  	s2 =	sor.u32 $0x70, s2;
	v12 =	vld [tilespmem:s8+$0xC090];
	v14 =	vmul.f32 $1.442695020e+00, v11;
	s24 =	sor.u32 s24, s26;
	s8 =	sadd.s32 $0x10, s3;
	v4 =	vimm.f32 $0.0e+00;
	v5 =	vpop (erf);
	(erf) = vpow2.f32 v7  }
0x13b: {  	s28 =	sor.u32 $0x180, s3;
	s26 =	simm.s32 $0x4;
	v13 =	vld [tilespmem:s24+$0xC110];
	s3 =	sor.u32 $0x180, s8;
	v7 =	vimm.f32 $0.0e+00;
	v10 =	vadd.f32 v5, v4;
	v11 =	vpop (erf);
	v5 =	vimm.f32 $0.0e+00  }
.LBB2_5:
0x13c: {  	s26 =	sadd.s32 $0x2, s26;
	v15 =	vld [tilespmem:s28+$0xC000];
	v6 =	vmul.f32 $1.442695020e+00, v6  }
0x13d: {  	v8 =	vmul.f32 $1.442695020e+00, v8;
	p1 =	slt.u32 s26, $0x1FE;
	v16 =	vld [tilespmem:s3+$0xC000];
	(erf) = vpow2.f32 v14;
	v10 =	vadd.f32 v11, v10;
	v11 =	vpop (erf)  }
0x13e: {  	v9 =	vmul.f32 $1.442695020e+00, v9;
	v14 =	vld [tilespmem:s24+$0xC100];
	(erf) = vpow2.f32 v6;
	v4 =	vadd.f32 v11, v4;
	v11 =	vpop (erf)  }
0x13f: {  	s7 =	sadd.s32 $0x1, s7;
	v12 =	vmul.f32 $1.442695020e+00, v12;
	v6 =	vld [tilespmem:s24+$0xC000];
	(erf) = vpow2.f32 v8;
	v7 =	vadd.f32 v11, v7;
	v11 =	vpop (erf)  }
.Ltmp3:
0x140: {  	s3 =	sand.u32 $0x3, s7;
	v8 =	vld [tilespmem:s24+$0xC080];
	v13 =	vmul.f32 $1.442695020e+00, v13;
	(erf) = vpow2.f32 v9;
	v4 =	vadd.f32 v3, v4;
	v17 =	vpop (erf);
	(pc) =	sbr.rel @p1 .LBB2_5-.Ltmp3, $4  }
0x141: {  	s25 =	sadd.s32 $0x80, s25;
	s23 =	sadd.s32 $0x20, s23;
	s3 =	sshll.u32 s3, $0x5;
	v5 =	vadd.f32 v11, v5;
	v18 =	vmul.f32 $1.442695020e+00, v15;
	v9 =	vld [tilespmem:s24+$0xC010];
	(erf) = vpow2.f32 v12;
	v11 =	vpop (erf)  }
0x142: {  	s8 =	sand.u32 $0x60, s23;
	s28 =	sand.u32 $0x7E00, s25;
	s3 =	sadd.s32 s3, s25;
	v7 =	vadd.f32 v17, v7;
	v12 =	vld [tilespmem:s24+$0xC090];
	v16 =	vmul.f32 $1.442695020e+00, v16;
	(erf) = vpow2.f32 v13;
	v3 =	vpop (erf)  }
0x143: {  	s24 =	sor.u32 s8, s28;
	s28 =	sor.u32 $0x180, s3;
	s3 =	sadd.s32 $0x10, s3;
	v5 =	vadd.f32 v11, v5;
	v14 =	vmul.f32 $1.442695020e+00, v14;
	(erf) = vpow2.f32 v18;
	v15 =	vpop (erf)  }
0x144: {  	s3 =	sor.u32 $0x180, s3;
	v13 =	vld [tilespmem:s24+$0xC110];
	(erf) = vpow2.f32 v16;
	v10 =	vadd.f32 v15, v10;
	v11 =	vpop (erf)  }
0x145: {  	v15 =	vld [tilespmem:s28+$0xC000];
	v6 =	vmul.f32 $1.442695020e+00, v6  }
0x146: {  	v16 =	vld [tilespmem:s3+$0xC000];
	v8 =	vmul.f32 $1.442695020e+00, v8;
	(erf) = vpow2.f32 v14  }
0x147: {  	v17 =	vld [tilespmem:s24+$0xC100];
	v39 =	vpop (erf);
	v9 =	vmul.f32 $1.442695020e+00, v9;
	(erf) = vpow2.f32 v6  }
0x148: {  	v18 =	vld [tilespmem:s24+$0xC000];
	v40 =	vpop (erf);
	v12 =	vmul.f32 $1.442695020e+00, v12;
	(erf) = vpow2.f32 v8  }
0x149: {  	v19 =	vld [tilespmem:s24+$0xC080];
	v41 =	vpop (erf);
	v13 =	vmul.f32 $1.442695020e+00, v13;
	(erf) = vpow2.f32 v9  }
0x14a: {  	v20 =	vld [tilespmem:s24+$0xC010];
	v42 =	vpop (erf);
	v15 =	vmul.f32 $1.442695020e+00, v15;
	(erf) = vpow2.f32 v12  }
0x14b: {  	v21 =	vld [tilespmem:s24+$0xC090];
	v43 =	vpop (erf);
	v16 =	vmul.f32 $1.442695020e+00, v16;
	(erf) = vpow2.f32 v13  }
0x14c: {  	v17 =	vmul.f32 $1.442695020e+00, v17;
	v44 =	vpop (erf);
	(erf) = vpow2.f32 v15  }
0x14d: {  	v46 =	vmul.f32 $1.442695020e+00, v18;
	v45 =	vpop (erf);
	(erf) = vpow2.f32 v16  }
0x14e: {  	v19 =	vmul.f32 $1.442695020e+00, v19;
	v47 =	vpop (erf);
	(erf) = vpow2.f32 v17  }
0x14f: {  	v20 =	vmul.f32 $1.442695020e+00, v20;
	v48 =	vpop (erf);
	(erf) = vpow2.f32 v46  }
0x150: {  	v50 =	vmul.f32 $1.442695020e+00, v21;
	v49 =	vpop (erf);
	(erf) = vpow2.f32 v19  }
0x151: {  	v6 =	vadd.f32 v40, v7;
	v51 =	vpop (erf);
	(erf) = vpow2.f32 v20  }
0x152: {  	v5 =	vadd.f32 v41, v5;
	v52 =	vpop (erf);
	(erf) = vpow2.f32 v50  }
0x153: {  	v4 =	vadd.f32 v39, v4;
	v6 =	vadd.f32 v42, v6;
	v53 =	vpop (erf)  }
0x154: {  	v5 =	vadd.f32 v43, v5;
	v54 =	vpop (erf)  }
0x155: {  	v3 =	vadd.f32 v3, v4;
	v55 =	vadd.f32 v49, v6;
	v56 =	vpop (erf)  }
0x156: {  	v10 =	vadd.f32 v11, v10;
	v5 =	vadd.f32 v51, v5;
	v57 =	vpop (erf)  }
0x157: {  	v3 =	vadd.f32 v48, v3;
	v4 =	vadd.f32 v52, v55;
	v58 =	vpop (erf)  }
0x158: {  	v10 =	vadd.f32 v45, v10;
	v5 =	vadd.f32 v53, v5;
	v59 =	vpop (erf)  }
0x159: {  	v3 =	vadd.f32 v44, v3;
	v4 =	vadd.f32 v59, v4;
	v60 =	vpop (erf)  }
0x15a: {  	v10 =	vadd.f32 v47, v10;
	v61 =	vpop (erf);
	v5 =	vadd.f32 v60, v5  }
0x15b: {  	v3 =	vadd.f32 v58, v3;
	v62 =	vpop (erf);
	v4 =	vadd.f32 v61, v4  }
0x15c: {  	v6 =	vadd.f32 v56, v10;
	v5 =	vadd.f32 v62, v5  }
0x15d: {  	v3 =	vadd.f32 v54, v3;
	[tilespmem:s6+$0x14000] =	vst v4  }
0x15e: {  	v63 =	vadd.f32 v57, v6;
	[tilespmem:s1+$0x14000] =	vst v5  }
.Ltmp4:
0x15f: {  	[tilespmem:s5+$0x14000] =	vst v3;
	(pc) =	sbr.rel @p0 .LBB2_8-.Ltmp4, $4  }
0x160: {  	s28 =	simm.s32 $0x4;
	[tilespmem:s2+$0x14000] =	vst v63  }
0x161: {  	_ =	swait.ge [sflag:s28], $0x8000  }
0x162: {  	[sflag:s28] =	ssyncset.done $0x0  }
0x163: {  	[sflag:s28] =	ssyncadd.s32 $0xFFFF8000  }
0x164: {  	v3 =	vld.msk [tilespmem:s0+$0x180], $0xf;
	_ =	sdelay $0x4  }
0x165: {  	v4 =	vshll.u32 v3, $0x6  }
0x166: {  	v3 =	vand.u32 $0x7, v3;
	v4 =	vand.u32 $0xFFFFFE00, v4  }
0x167: {  	v3 =	vor.u32 v3, v4  }
0x168: {  	v3 =	vperm.xlane v3, v1;
	_ =	sdelay $0x1  }
0x169: {  	v3 =	vadd.s32 v2, v3;
	_ =	sdelay $0x3  }
0x16a: {  	s28 =	simm.s32 $0xC000  }
0x16b: {  	[tilespmem:s28], [sflag:$0x2] =	stream.indirect_vreg.gather [hbm4b:s29+s4], $0x80, v3, vm0, $0xb8;
	[tilespmem:$0x16000] =	vst v63  }
0x16c: {  	s29 =	simm.s32 $0xC800  }
0x16d: {  	[tilespmem:s29], [sflag:$0x2] =	stream.indirect_vreg.gather [hbm4b:s30+s4], $0x80, v3, vm0, $0xb8;
	[tilespmem:$0x16000] =	vst v63  }
0x16e: {  	s1 =	simm.s32 $0xD000  }
0x16f: {  	[tilespmem:s1], [sflag:$0x2] =	stream.indirect_vreg.gather [hbm4b:s9+s4], $0x80, v3, vm0, $0xb8;
	[tilespmem:$0x16000] =	vst v63  }
0x170: {  	s2 =	simm.s32 $0xD800  }
0x171: {  	[tilespmem:s2], [sflag:$0x2] =	stream.indirect_vreg.gather [hbm4b:s10+s4], $0x80, v3, vm0, $0xb8;
	[tilespmem:$0x16000] =	vst v63  }
0x172: {  	s3 =	simm.s32 $0xE000  }
0x173: {  	[tilespmem:s3], [sflag:$0x2] =	stream.indirect_vreg.gather [hbm4b:s11+s4], $0x80, v3, vm0, $0xb8;
	[tilespmem:$0x16000] =	vst v63  }
0x174: {  	s5 =	simm.s32 $0xE800  }
0x175: {  	[tilespmem:s5], [sflag:$0x2] =	stream.indirect_vreg.gather [hbm4b:s12+s4], $0x80, v3, vm0, $0xb8;
	[tilespmem:$0x16000] =	vst v63  }
0x176: {  	s6 =	simm.s32 $0xF000  }
0x177: {  	[tilespmem:s6], [sflag:$0x2] =	stream.indirect_vreg.gather [hbm4b:s13+s4], $0x80, v3, vm0, $0xb8;
	[tilespmem:$0x16000] =	vst v63  }
0x178: {  	s7 =	simm.s32 $0xF800  }
0x179: {  	[tilespmem:s7], [sflag:$0x2] =	stream.indirect_vreg.gather [hbm4b:s14+s4], $0x80, v3, vm0, $0xb8;
	[tilespmem:$0x16000] =	vst v63  }
0x17a: {  	s8 =	simm.s32 $0x10000  }
0x17b: {  	[tilespmem:s8], [sflag:$0x2] =	stream.indirect_vreg.gather [hbm4b:s15+s4], $0x80, v3, vm0, $0xb8;
	[tilespmem:$0x16000] =	vst v63  }
0x17c: {  	s23 =	simm.s32 $0x10800  }
0x17d: {  	[tilespmem:s23], [sflag:$0x2] =	stream.indirect_vreg.gather [hbm4b:s16+s4], $0x80, v3, vm0, $0xb8;
	[tilespmem:$0x16000] =	vst v63  }
0x17e: {  	s24 =	simm.s32 $0x11000  }
0x17f: {  	[tilespmem:s24], [sflag:$0x2] =	stream.indirect_vreg.gather [hbm4b:s17+s4], $0x80, v3, vm0, $0xb8;
	[tilespmem:$0x16000] =	vst v63  }
0x180: {  	s25 =	simm.s32 $0x11800  }
0x181: {  	[tilespmem:s25], [sflag:$0x2] =	stream.indirect_vreg.gather [hbm4b:s18+s4], $0x80, v3, vm0, $0xb8;
	[tilespmem:$0x16000] =	vst v63  }
0x182: {  	s26 =	simm.s32 $0x12000  }
0x183: {  	[tilespmem:s26], [sflag:$0x2] =	stream.indirect_vreg.gather [hbm4b:s19+s4], $0x80, v3, vm0, $0xb8;
	[tilespmem:$0x16000] =	vst v63  }
0x184: {  	s28 =	simm.s32 $0x12800  }
0x185: {  	[tilespmem:s28], [sflag:$0x2] =	stream.indirect_vreg.gather [hbm4b:s20+s4], $0x80, v3, vm0, $0xb8;
	[tilespmem:$0x16000] =	vst v63  }
.Ltmp5:
0x186: {  	_ = 	snop;
	(pc) =	sbr.rel .LBB2_2-.Ltmp5, $4  }
0x187: {  	s29 =	simm.s32 $0x13000  }
0x188: {  	[tilespmem:s29], [sflag:$0x2] =	stream.indirect_vreg.gather [hbm4b:s21+s4], $0x80, v3, vm0, $0xb8;
	[tilespmem:$0x16000] =	vst v63  }
0x189: {  	s31 =	sadd.s32 $0x1, s31;
	s30 =	simm.s32 $0x13800  }
0x18a: {  	[tilespmem:s30], [sflag:$0x2] =	stream.indirect_vreg.gather [hbm4b:s22+s4], $0x80, v3, vm0, $0xb8;
	[tilespmem:$0x16000] =	vst v63  }
.LBB2_9:
0x18b: {  	_ =	sfence.sel $0x180000  }
0x18c: {  	[bflag:$0x0] =	sbarrier.arrive $0xFFFF  }
0x18d: {  	_ =	strace $0x90000047  }
0x18e: {  	s0 =	stileid.u32;
	[bflag:$0x2] =	sbarrier.arrive $0xFFFF  }
0x18f: {  	p0 =	sne.s32 s0, $0x0;
	s0 =	rddreg [dreg:$0x3]  }
0x190: {  	s0 =	sadd.s32 @!p0 $0x100000, s0  }
0x191: {  	[sflag:s0] =	ssyncadd.tile.s32 @!p0 $0x1;
	_ =	shalt  }
.Lfunc_end2:
_tile_overlayer_lowered:
.L_overlay_start_2:
0x192: {  	(tag) =	ssettag $0x2  }
0x193: {  	s0 =	rddreg [dreg:$0x0];
	s2 =	stileid.u32  }
0x194: {  	s1 =	rddreg [dreg:$0x1];
	p0 =	sne.s32 s2, $0x0  }
0x195: {  	s3 =	rddreg [dreg:$0x2];
	[bflag:$0x3] =	sbarrier.arrive $0xFFFF;
	s2 =	simm.s32 @!p0 $0x1C05  }
0x196: {  	[timem:s3], [sflag:s2] =	dma.local @!p0 [hbm:s0], s1  }
0x197: {  	s0 =	simm.s32 @!p0 $0x5  }
0x198: {  	_ =	swait.ge @!p0 [sflag:s0], s1  }
0x199: {  	s1 =	ssub.s32 @!p0 $0x0, s1;
	[sflag:s0] =	ssyncset.done @!p0 $0x0  }
0x19a: {  	[sflag:s0] =	ssyncadd.s32 @!p0 s1  }
0x19b: {  	[bflag:$0x3] =	sbarrier.arrive $0xFFFF  }
0x19c: {  	_ =	shalt  }

</sc_bundles>
